<compile_context>
chip_gen: v7x
topology: tpu7x:2x2x1
jax: 0.10.2.dev20260603
libtpu: 0.0.44.dev20260713+nightly
codegen_flags: <defaults>
</compile_context>

<pallas_src>
import functools

import jax
import jax.numpy as jnp
from jax import lax
from jax.experimental import pallas as pl
from jax.experimental.pallas import tpu as pltpu
from jax.experimental.pallas import tpu_sc as plsc


def _build(total, chunk):
    info = plsc.get_sparse_core_info()
    nw = info.num_cores * info.num_subcores
    b_per_w = total // nw
    n_chunks = b_per_w // chunk
    assert b_per_w * nw == total and n_chunks * chunk == b_per_w
    assert n_chunks % 2 == 0 and n_chunks >= 4

    mesh = plsc.VectorSubcoreMesh(core_axis_name="c", subcore_axis_name="s")

    buf_t = [
        pltpu.VMEM((chunk,), jnp.int32),
        pltpu.VMEM((chunk,), jnp.int32),
        pltpu.VMEM((chunk, 16), jnp.float32),
        pltpu.VMEM((chunk, 16), jnp.float32),
        pltpu.VMEM((chunk,), jnp.float32),
        pltpu.VMEM((chunk,), jnp.float32),
        pltpu.VMEM((chunk,), jnp.float32),
        pltpu.SemaphoreType.DMA,
        pltpu.SemaphoreType.DMA,
        pltpu.SemaphoreType.DMA,
        pltpu.SemaphoreType.DMA,
        pltpu.SemaphoreType.DMA,
    ]

    @functools.partial(
        pl.kernel,
        mesh=mesh,
        out_type=jax.ShapeDtypeStruct((total,), jnp.float32),
        compiler_params=pltpu.CompilerParams(
            needs_layout_passes=False, use_tc_tiling_on_sc=False
        ),
        scratch_types=buf_t + buf_t,
    )
    def fused_lookup(user_hbm, item_hbm, uf_hbm, pf_hbm, ub_hbm, pb_hbm,
                     out_hbm, *bufs):
        buf_a, buf_b = bufs[:12], bufs[12:]
        wid = lax.axis_index("s") * info.num_cores + lax.axis_index("c")
        base = wid * b_per_w
        lane = lax.iota(jnp.int32, 16)
        cols = [(lane + k) & 15 for k in range(16)]

        def fire_idx(buf, c):
            idx_u, idx_p = buf[0], buf[1]
            sem = buf[7]
            cbase = base + c * chunk
            pltpu.async_copy(user_hbm.at[pl.ds(cbase, chunk)], idx_u, sem)
            pltpu.async_copy(item_hbm.at[pl.ds(cbase, chunk)], idx_p, sem)

        def wait_idx(buf, c):
            idx_u, idx_p = buf[0], buf[1]
            sem = buf[7]
            cbase = base + c * chunk
            pltpu.make_async_copy(
                user_hbm.at[pl.ds(cbase, chunk)], idx_u, sem).wait()
            pltpu.make_async_copy(
                item_hbm.at[pl.ds(cbase, chunk)], idx_p, sem).wait()

        def fire_gathers(buf):
            idx_u, idx_p, urows, prows, ubv, pbv = buf[:6]
            pltpu.async_copy(uf_hbm.at[idx_u], urows, buf[8])
            pltpu.async_copy(pf_hbm.at[idx_p], prows, buf[9])
            pltpu.async_copy(ub_hbm.at[idx_u], ubv, buf[10])
            pltpu.async_copy(pb_hbm.at[idx_p], pbv, buf[11])

        def wait_gathers(buf):
            idx_u, idx_p, urows, prows, ubv, pbv = buf[:6]
            pltpu.make_async_copy(uf_hbm.at[idx_u], urows, buf[8]).wait()
            pltpu.make_async_copy(pf_hbm.at[idx_p], prows, buf[9]).wait()
            pltpu.make_async_copy(ub_hbm.at[idx_u], ubv, buf[10]).wait()
            pltpu.make_async_copy(pb_hbm.at[idx_p], pbv, buf[11]).wait()

        def compute(buf, c):
            urows, prows, ubv, pbv, outv = buf[2], buf[3], buf[4], buf[5], buf[6]
            cbase = base + c * chunk

            def group_body(g, _):
                g16 = g * 16
                row = g16 + lane
                acc = ubv[pl.ds(g16, 16)] + pbv[pl.ds(g16, 16)]
                for k in range(16):
                    uc = plsc.load_gather(urows, [row, cols[k]])
                    pc = plsc.load_gather(prows, [row, cols[k]])
                    acc = acc + uc * pc
                outv[pl.ds(g16, 16)] = acc
                return 0

            lax.fori_loop(0, chunk // 16, group_body, 0)
            pltpu.sync_copy(outv, out_hbm.at[pl.ds(cbase, chunk)])

        fire_idx(buf_a, 0)
        wait_idx(buf_a, 0)
        fire_gathers(buf_a)
        fire_idx(buf_b, 1)

        def body2(h, _):
            c0 = h * 2
            wait_idx(buf_b, c0 + 1)
            fire_gathers(buf_b)
            wait_gathers(buf_a)
            fire_idx(buf_a, c0 + 2)
            compute(buf_a, c0)
            wait_idx(buf_a, c0 + 2)
            fire_gathers(buf_a)
            fire_idx(buf_b, c0 + 3)
            wait_gathers(buf_b)
            compute(buf_b, c0 + 1)
            return 0

        lax.fori_loop(0, n_chunks // 2 - 1, body2, 0)

        c0 = n_chunks - 2
        wait_idx(buf_b, c0 + 1)
        fire_gathers(buf_b)
        wait_gathers(buf_a)
        compute(buf_a, c0)
        wait_gathers(buf_b)
        compute(buf_b, c0 + 1)

    return fused_lookup


def kernel(user, item, user_factors, product_factors, user_bias, product_bias):
    b, l = user.shape
    total = b * l
    fused = _build(total, 1024)
    out = fused(
        user.T.reshape(total),
        item.T.reshape(total),
        user_factors,
        product_factors,
        user_bias.T.reshape(-1),
        product_bias.T.reshape(-1),
    )
    return out.reshape(l, b).T

# --- scband reference (transcript-rebuilt; emitter-appended) ---
"""Pipeline reference for scband-matrix-factorization-35192962023502 (READ-ONLY COPY).

The authoritative reference and input builder live on the scoring server;
editing this copy changes nothing except your own understanding.
"""

import jax, jax.numpy as jnp
import numpy as np

N_USERS = 1000000
N_PRODUCTS = 100000
N_FACTORS = 16
B = 16384
L = 20

def setup_inputs(seed: int = 0) -> dict:
    key = jax.random.key(seed)
    k1, k2, k3, k4, k5, k6 = jax.random.split(key, 6)
    user = jax.random.randint(k1, (B, L), 0, N_USERS, dtype=jnp.int64) if jax.config.jax_enable_x64 else jax.random.randint(k1, (B, L), 0, N_USERS).astype(jnp.int32)
    item = jax.random.randint(k2, (B, L), 0, N_PRODUCTS, dtype=jnp.int64) if jax.config.jax_enable_x64 else jax.random.randint(k2, (B, L), 0, N_PRODUCTS).astype(jnp.int32)
    user_factors = jax.random.normal(k3, (N_USERS, N_FACTORS), dtype=jnp.float32) * 0.01
    product_factors = jax.random.normal(k4, (N_PRODUCTS, N_FACTORS), dtype=jnp.float32) * 0.01
    user_bias = jax.random.normal(k5, (N_USERS, 1), dtype=jnp.float32) * 0.01
    product_bias = jax.random.normal(k6, (N_PRODUCTS, 1), dtype=jnp.float32) * 0.01
    return {
        "user": user,
        "item": item,
        "user_factors": user_factors,
        "product_factors": product_factors,
        "user_bias": user_bias,
        "product_bias": product_bias,
    }

def reference(user, item, user_factors, product_factors, user_bias, product_bias):
    # mat_mult = (user_bias(user) + product_bias(item)).squeeze(2)
    mat_mult = (jnp.take(user_bias, user, axis=0) + jnp.take(product_bias, item, axis=0)).squeeze(2)
    # mat_mult += (user_factors(user) * product_factors(item)).sum(2)
    mat_mult = mat_mult + (jnp.take(user_factors, user, axis=0) * jnp.take(product_factors, item, axis=0)).sum(2)
    return mat_mult

if __name__ == "__main__":
    import jax
    _d = setup_inputs()
    print(jax.jit(kernel)(*tuple(_d.values())))

</pallas_src>

<mosaic_0001>
#map = affine_map<(d0, d1) -> (0)>
#map1 = affine_map<(d0, d1) -> (0, 0)>
module attributes {stable_mosaic.version = 14 : i64} {
  func.func @fused_lookup(%arg0: i32, %arg1: i32, %arg2: memref<327680xi32, #tpu.memory_space<hbm>>, %arg3: memref<327680xi32, #tpu.memory_space<hbm>>, %arg4: memref<1000000x16xf32, #tpu.memory_space<hbm>>, %arg5: memref<100000x16xf32, #tpu.memory_space<hbm>>, %arg6: memref<1000000xf32, #tpu.memory_space<hbm>>, %arg7: memref<100000xf32, #tpu.memory_space<hbm>>, %arg8: memref<327680xf32, #tpu.memory_space<hbm>>, %arg9: memref<1024xi32, #tpu.memory_space<vmem>>, %arg10: memref<1024xi32, #tpu.memory_space<vmem>>, %arg11: memref<1024x16xf32, #tpu.memory_space<vmem>>, %arg12: memref<1024x16xf32, #tpu.memory_space<vmem>>, %arg13: memref<1024xf32, #tpu.memory_space<vmem>>, %arg14: memref<1024xf32, #tpu.memory_space<vmem>>, %arg15: memref<1024xf32, #tpu.memory_space<vmem>>, %arg16: memref<!tpu.dma_semaphore, #tpu.memory_space<semaphore_mem>>, %arg17: memref<!tpu.dma_semaphore, #tpu.memory_space<semaphore_mem>>, %arg18: memref<!tpu.dma_semaphore, #tpu.memory_space<semaphore_mem>>, %arg19: memref<!tpu.dma_semaphore, #tpu.memory_space<semaphore_mem>>, %arg20: memref<!tpu.dma_semaphore, #tpu.memory_space<semaphore_mem>>, %arg21: memref<1024xi32, #tpu.memory_space<vmem>>, %arg22: memref<1024xi32, #tpu.memory_space<vmem>>, %arg23: memref<1024x16xf32, #tpu.memory_space<vmem>>, %arg24: memref<1024x16xf32, #tpu.memory_space<vmem>>, %arg25: memref<1024xf32, #tpu.memory_space<vmem>>, %arg26: memref<1024xf32, #tpu.memory_space<vmem>>, %arg27: memref<1024xf32, #tpu.memory_space<vmem>>, %arg28: memref<!tpu.dma_semaphore, #tpu.memory_space<semaphore_mem>>, %arg29: memref<!tpu.dma_semaphore, #tpu.memory_space<semaphore_mem>>, %arg30: memref<!tpu.dma_semaphore, #tpu.memory_space<semaphore_mem>>, %arg31: memref<!tpu.dma_semaphore, #tpu.memory_space<semaphore_mem>>, %arg32: memref<!tpu.dma_semaphore, #tpu.memory_space<semaphore_mem>>) attributes {dimension_semantics = [#tpu.dimension_semantics<core_parallel>, #tpu.dimension_semantics<subcore_parallel>], iteration_bounds = array<i64: 2, 16>, scalar_prefetch = 0 : i64, scratch_operands = 24 : i64, tpu.core_type = #tpu.core_type<sc_vector_subcore>, window_params = [{transform_indices = #map}, {transform_indices = #map}, {transform_indices = #map1}, {transform_indices = #map1}, {transform_indices = #map}, {transform_indices = #map}, {transform_indices = #map}]} {
    %mul3A = arith.constant 2 : i32
    %mul3A_0 = arith.muli %arg1, %mul3A : i32
    %add3A = arith.addi %mul3A_0, %arg0 : i32
    %mul3A_1 = arith.constant 10240 : i32
    %mul3A_2 = arith.muli %add3A, %mul3A_1 : i32
    %iota3A = tpu.iota {dimensions = array<i32: 0>} : vector<16xi32>
    %add3A_3 = arith.constant 0 : i32
    %add3A_4 = vector.broadcast %add3A_3 : i32 to vector<16xi32>
    %add3A_5 = arith.addi %iota3A, %add3A_4 : vector<16xi32>
    %and3A = arith.constant 15 : i32
    %and3A_6 = vector.broadcast %and3A : i32 to vector<16xi32>
    %and3A_7 = arith.andi %add3A_5, %and3A_6 : vector<16xi32>
    %add3A_8 = arith.constant 1 : i32
    %add3A_9 = vector.broadcast %add3A_8 : i32 to vector<16xi32>
    %add3A_10 = arith.addi %iota3A, %add3A_9 : vector<16xi32>
    %and3A_11 = arith.constant 15 : i32
    %and3A_12 = vector.broadcast %and3A_11 : i32 to vector<16xi32>
    %and3A_13 = arith.andi %add3A_10, %and3A_12 : vector<16xi32>
    %add3A_14 = arith.constant 2 : i32
    %add3A_15 = vector.broadcast %add3A_14 : i32 to vector<16xi32>
    %add3A_16 = arith.addi %iota3A, %add3A_15 : vector<16xi32>
    %and3A_17 = arith.constant 15 : i32
    %and3A_18 = vector.broadcast %and3A_17 : i32 to vector<16xi32>
    %and3A_19 = arith.andi %add3A_16, %and3A_18 : vector<16xi32>
    %add3A_20 = arith.constant 3 : i32
    %add3A_21 = vector.broadcast %add3A_20 : i32 to vector<16xi32>
    %add3A_22 = arith.addi %iota3A, %add3A_21 : vector<16xi32>
    %and3A_23 = arith.constant 15 : i32
    %and3A_24 = vector.broadcast %and3A_23 : i32 to vector<16xi32>
    %and3A_25 = arith.andi %add3A_22, %and3A_24 : vector<16xi32>
    %add3A_26 = arith.constant 4 : i32
    %add3A_27 = vector.broadcast %add3A_26 : i32 to vector<16xi32>
    %add3A_28 = arith.addi %iota3A, %add3A_27 : vector<16xi32>
    %and3A_29 = arith.constant 15 : i32
    %and3A_30 = vector.broadcast %and3A_29 : i32 to vector<16xi32>
    %and3A_31 = arith.andi %add3A_28, %and3A_30 : vector<16xi32>
    %add3A_32 = arith.constant 5 : i32
    %add3A_33 = vector.broadcast %add3A_32 : i32 to vector<16xi32>
    %add3A_34 = arith.addi %iota3A, %add3A_33 : vector<16xi32>
    %and3A_35 = arith.constant 15 : i32
    %and3A_36 = vector.broadcast %and3A_35 : i32 to vector<16xi32>
    %and3A_37 = arith.andi %add3A_34, %and3A_36 : vector<16xi32>
    %add3A_38 = arith.constant 6 : i32
    %add3A_39 = vector.broadcast %add3A_38 : i32 to vector<16xi32>
    %add3A_40 = arith.addi %iota3A, %add3A_39 : vector<16xi32>
    %and3A_41 = arith.constant 15 : i32
    %and3A_42 = vector.broadcast %and3A_41 : i32 to vector<16xi32>
    %and3A_43 = arith.andi %add3A_40, %and3A_42 : vector<16xi32>
    %add3A_44 = arith.constant 7 : i32
    %add3A_45 = vector.broadcast %add3A_44 : i32 to vector<16xi32>
    %add3A_46 = arith.addi %iota3A, %add3A_45 : vector<16xi32>
    %and3A_47 = arith.constant 15 : i32
    %and3A_48 = vector.broadcast %and3A_47 : i32 to vector<16xi32>
    %and3A_49 = arith.andi %add3A_46, %and3A_48 : vector<16xi32>
    %add3A_50 = arith.constant 8 : i32
    %add3A_51 = vector.broadcast %add3A_50 : i32 to vector<16xi32>
    %add3A_52 = arith.addi %iota3A, %add3A_51 : vector<16xi32>
    %and3A_53 = arith.constant 15 : i32
    %and3A_54 = vector.broadcast %and3A_53 : i32 to vector<16xi32>
    %and3A_55 = arith.andi %add3A_52, %and3A_54 : vector<16xi32>
    %add3A_56 = arith.constant 9 : i32
    %add3A_57 = vector.broadcast %add3A_56 : i32 to vector<16xi32>
    %add3A_58 = arith.addi %iota3A, %add3A_57 : vector<16xi32>
    %and3A_59 = arith.constant 15 : i32
    %and3A_60 = vector.broadcast %and3A_59 : i32 to vector<16xi32>
    %and3A_61 = arith.andi %add3A_58, %and3A_60 : vector<16xi32>
    %add3A_62 = arith.constant 10 : i32
    %add3A_63 = vector.broadcast %add3A_62 : i32 to vector<16xi32>
    %add3A_64 = arith.addi %iota3A, %add3A_63 : vector<16xi32>
    %and3A_65 = arith.constant 15 : i32
    %and3A_66 = vector.broadcast %and3A_65 : i32 to vector<16xi32>
    %and3A_67 = arith.andi %add3A_64, %and3A_66 : vector<16xi32>
    %add3A_68 = arith.constant 11 : i32
    %add3A_69 = vector.broadcast %add3A_68 : i32 to vector<16xi32>
    %add3A_70 = arith.addi %iota3A, %add3A_69 : vector<16xi32>
    %and3A_71 = arith.constant 15 : i32
    %and3A_72 = vector.broadcast %and3A_71 : i32 to vector<16xi32>
    %and3A_73 = arith.andi %add3A_70, %and3A_72 : vector<16xi32>
    %add3A_74 = arith.constant 12 : i32
    %add3A_75 = vector.broadcast %add3A_74 : i32 to vector<16xi32>
    %add3A_76 = arith.addi %iota3A, %add3A_75 : vector<16xi32>
    %and3A_77 = arith.constant 15 : i32
    %and3A_78 = vector.broadcast %and3A_77 : i32 to vector<16xi32>
    %and3A_79 = arith.andi %add3A_76, %and3A_78 : vector<16xi32>
    %add3A_80 = arith.constant 13 : i32
    %add3A_81 = vector.broadcast %add3A_80 : i32 to vector<16xi32>
    %add3A_82 = arith.addi %iota3A, %add3A_81 : vector<16xi32>
    %and3A_83 = arith.constant 15 : i32
    %and3A_84 = vector.broadcast %and3A_83 : i32 to vector<16xi32>
    %and3A_85 = arith.andi %add3A_82, %and3A_84 : vector<16xi32>
    %add3A_86 = arith.constant 14 : i32
    %add3A_87 = vector.broadcast %add3A_86 : i32 to vector<16xi32>
    %add3A_88 = arith.addi %iota3A, %add3A_87 : vector<16xi32>
    %and3A_89 = arith.constant 15 : i32
    %and3A_90 = vector.broadcast %and3A_89 : i32 to vector<16xi32>
    %and3A_91 = arith.andi %add3A_88, %and3A_90 : vector<16xi32>
    %add3A_92 = arith.constant 15 : i32
    %add3A_93 = vector.broadcast %add3A_92 : i32 to vector<16xi32>
    %add3A_94 = arith.addi %iota3A, %add3A_93 : vector<16xi32>
    %and3A_95 = arith.constant 15 : i32
    %and3A_96 = vector.broadcast %and3A_95 : i32 to vector<16xi32>
    %and3A_97 = arith.andi %add3A_94, %and3A_96 : vector<16xi32>
    %add3A_98 = arith.constant 0 : i32
    %add3A_99 = arith.addi %mul3A_2, %add3A_98 : i32
    %dma_start3A = tpu.memref_slice %arg2[%add3A_99] : memref<327680xi32, #tpu.memory_space<hbm>> -> memref<1024xi32, #tpu.memory_space<hbm>>
    %dma_start3A_100 = tpu.memref_slice %arg2[%add3A_99] : memref<327680xi32, #tpu.memory_space<hbm>> -> memref<1024xi32, #tpu.memory_space<hbm>>
    tpu.enqueue_dma source(%dma_start3A_100 : memref<1024xi32, #tpu.memory_space<hbm>>) target(%arg9 : memref<1024xi32, #tpu.memory_space<vmem>>) target_semaphore(%arg16 : memref<!tpu.dma_semaphore, #tpu.memory_space<semaphore_mem>>)
    %dma_start3A_101 = tpu.memref_slice %arg3[%add3A_99] : memref<327680xi32, #tpu.memory_space<hbm>> -> memref<1024xi32, #tpu.memory_space<hbm>>
    %dma_start3A_102 = tpu.memref_slice %arg3[%add3A_99] : memref<327680xi32, #tpu.memory_space<hbm>> -> memref<1024xi32, #tpu.memory_space<hbm>>
    tpu.enqueue_dma source(%dma_start3A_102 : memref<1024xi32, #tpu.memory_space<hbm>>) target(%arg10 : memref<1024xi32, #tpu.memory_space<vmem>>) target_semaphore(%arg16 : memref<!tpu.dma_semaphore, #tpu.memory_space<semaphore_mem>>)
    %add3A_103 = arith.constant 0 : i32
    %add3A_104 = arith.addi %mul3A_2, %add3A_103 : i32
    %dma_wait3A = tpu.memref_slice %arg2[%add3A_104] : memref<327680xi32, #tpu.memory_space<hbm>> -> memref<1024xi32, #tpu.memory_space<hbm>>
    %dma_wait3A_105 = tpu.memref_slice %arg2[%add3A_104] : memref<327680xi32, #tpu.memory_space<hbm>> -> memref<1024xi32, #tpu.memory_space<hbm>>
    tpu.wait_dma2 semaphore(%arg16 : memref<!tpu.dma_semaphore, #tpu.memory_space<semaphore_mem>>) src(%dma_wait3A_105 : memref<1024xi32, #tpu.memory_space<hbm>>) dst(%arg9 : memref<1024xi32, #tpu.memory_space<vmem>>)
    %dma_wait3A_106 = tpu.memref_slice %arg3[%add3A_104] : memref<327680xi32, #tpu.memory_space<hbm>> -> memref<1024xi32, #tpu.memory_space<hbm>>
    %dma_wait3A_107 = tpu.memref_slice %arg3[%add3A_104] : memref<327680xi32, #tpu.memory_space<hbm>> -> memref<1024xi32, #tpu.memory_space<hbm>>
    tpu.wait_dma2 semaphore(%arg16 : memref<!tpu.dma_semaphore, #tpu.memory_space<semaphore_mem>>) src(%dma_wait3A_107 : memref<1024xi32, #tpu.memory_space<hbm>>) dst(%arg10 : memref<1024xi32, #tpu.memory_space<vmem>>)
    %dma_start3A_108 = arith.constant 0 : i32
    %dma_start3A_109 = arith.constant 0 : i32
    %dma_start3A_110 = tpu.memref_slice %arg4[%dma_start3A_108, %dma_start3A_109] : memref<1000000x16xf32, #tpu.memory_space<hbm>> -> memref<1000000x16xf32, #tpu.memory_space<hbm>>
    tpu.enqueue_indirect_dma source(%dma_start3A_110 : memref<1000000x16xf32, #tpu.memory_space<hbm>>) target(%arg11 : memref<1024x16xf32, #tpu.memory_space<vmem>>) offsets(%arg9 : memref<1024xi32, #tpu.memory_space<vmem>>) semaphore(%arg17 : memref<!tpu.dma_semaphore, #tpu.memory_space<semaphore_mem>>)
    %dma_start3A_111 = arith.constant 0 : i32
    %dma_start3A_112 = arith.constant 0 : i32
    %dma_start3A_113 = tpu.memref_slice %arg5[%dma_start3A_111, %dma_start3A_112] : memref<100000x16xf32, #tpu.memory_space<hbm>> -> memref<100000x16xf32, #tpu.memory_space<hbm>>
    tpu.enqueue_indirect_dma source(%dma_start3A_113 : memref<100000x16xf32, #tpu.memory_space<hbm>>) target(%arg12 : memref<1024x16xf32, #tpu.memory_space<vmem>>) offsets(%arg10 : memref<1024xi32, #tpu.memory_space<vmem>>) semaphore(%arg18 : memref<!tpu.dma_semaphore, #tpu.memory_space<semaphore_mem>>)
    %dma_start3A_114 = arith.constant 0 : i32
    %dma_start3A_115 = tpu.memref_slice %arg6[%dma_start3A_114] : memref<1000000xf32, #tpu.memory_space<hbm>> -> memref<1000000xf32, #tpu.memory_space<hbm>>
    tpu.enqueue_indirect_dma source(%dma_start3A_115 : memref<1000000xf32, #tpu.memory_space<hbm>>) target(%arg13 : memref<1024xf32, #tpu.memory_space<vmem>>) offsets(%arg9 : memref<1024xi32, #tpu.memory_space<vmem>>) semaphore(%arg19 : memref<!tpu.dma_semaphore, #tpu.memory_space<semaphore_mem>>)
    %dma_start3A_116 = arith.constant 0 : i32
    %dma_start3A_117 = tpu.memref_slice %arg7[%dma_start3A_116] : memref<100000xf32, #tpu.memory_space<hbm>> -> memref<100000xf32, #tpu.memory_space<hbm>>
    tpu.enqueue_indirect_dma source(%dma_start3A_117 : memref<100000xf32, #tpu.memory_space<hbm>>) target(%arg14 : memref<1024xf32, #tpu.memory_space<vmem>>) offsets(%arg10 : memref<1024xi32, #tpu.memory_space<vmem>>) semaphore(%arg20 : memref<!tpu.dma_semaphore, #tpu.memory_space<semaphore_mem>>)
    %add3A_118 = arith.constant 1024 : i32
    %add3A_119 = arith.addi %mul3A_2, %add3A_118 : i32
    %dma_start3A_120 = tpu.memref_slice %arg2[%add3A_119] : memref<327680xi32, #tpu.memory_space<hbm>> -> memref<1024xi32, #tpu.memory_space<hbm>>
    %dma_start3A_121 = tpu.memref_slice %arg2[%add3A_119] : memref<327680xi32, #tpu.memory_space<hbm>> -> memref<1024xi32, #tpu.memory_space<hbm>>
    tpu.enqueue_dma source(%dma_start3A_121 : memref<1024xi32, #tpu.memory_space<hbm>>) target(%arg21 : memref<1024xi32, #tpu.memory_space<vmem>>) target_semaphore(%arg28 : memref<!tpu.dma_semaphore, #tpu.memory_space<semaphore_mem>>)
    %dma_start3A_122 = tpu.memref_slice %arg3[%add3A_119] : memref<327680xi32, #tpu.memory_space<hbm>> -> memref<1024xi32, #tpu.memory_space<hbm>>
    %dma_start3A_123 = tpu.memref_slice %arg3[%add3A_119] : memref<327680xi32, #tpu.memory_space<hbm>> -> memref<1024xi32, #tpu.memory_space<hbm>>
    tpu.enqueue_dma source(%dma_start3A_123 : memref<1024xi32, #tpu.memory_space<hbm>>) target(%arg22 : memref<1024xi32, #tpu.memory_space<vmem>>) target_semaphore(%arg28 : memref<!tpu.dma_semaphore, #tpu.memory_space<semaphore_mem>>)
    %scan3A = arith.constant 0 : i32
    %scan3A_124 = arith.constant 0 : i32
    %scan3A_125 = arith.constant 4 : i32
    %scan3A_126 = arith.addi %scan3A_124, %scan3A_125 : i32
    %scan3A_127 = arith.constant 1 : i32
    %scan3A_128 = scf.for %scan3A_184 = %scan3A_124 to %scan3A_126 step %scan3A_127 iter_args(%scan3A_185 = %scan3A) -> (i32)  : i32 {
      %mul3A_186 = arith.constant 2 : i32
      %mul3A_187 = arith.muli %scan3A_184, %mul3A_186 : i32
      %add3A_188 = arith.constant 1 : i32
      %add3A_189 = arith.addi %mul3A_187, %add3A_188 : i32
      %mul3A_190 = arith.constant 1024 : i32
      %mul3A_191 = arith.muli %add3A_189, %mul3A_190 : i32
      %add3A_192 = arith.addi %mul3A_2, %mul3A_191 : i32
      %dma_wait3A_193 = tpu.memref_slice %arg2[%add3A_192] : memref<327680xi32, #tpu.memory_space<hbm>> -> memref<1024xi32, #tpu.memory_space<hbm>>
      %dma_wait3A_194 = tpu.memref_slice %arg2[%add3A_192] : memref<327680xi32, #tpu.memory_space<hbm>> -> memref<1024xi32, #tpu.memory_space<hbm>>
      tpu.wait_dma2 semaphore(%arg28 : memref<!tpu.dma_semaphore, #tpu.memory_space<semaphore_mem>>) src(%dma_wait3A_194 : memref<1024xi32, #tpu.memory_space<hbm>>) dst(%arg21 : memref<1024xi32, #tpu.memory_space<vmem>>)
      %dma_wait3A_195 = tpu.memref_slice %arg3[%add3A_192] : memref<327680xi32, #tpu.memory_space<hbm>> -> memref<1024xi32, #tpu.memory_space<hbm>>
      %dma_wait3A_196 = tpu.memref_slice %arg3[%add3A_192] : memref<327680xi32, #tpu.memory_space<hbm>> -> memref<1024xi32, #tpu.memory_space<hbm>>
      tpu.wait_dma2 semaphore(%arg28 : memref<!tpu.dma_semaphore, #tpu.memory_space<semaphore_mem>>) src(%dma_wait3A_196 : memref<1024xi32, #tpu.memory_space<hbm>>) dst(%arg22 : memref<1024xi32, #tpu.memory_space<vmem>>)
      %dma_start3A_197 = arith.constant 0 : i32
      %dma_start3A_198 = arith.constant 0 : i32
      %dma_start3A_199 = tpu.memref_slice %arg4[%dma_start3A_197, %dma_start3A_198] : memref<1000000x16xf32, #tpu.memory_space<hbm>> -> memref<1000000x16xf32, #tpu.memory_space<hbm>>
      tpu.enqueue_indirect_dma source(%dma_start3A_199 : memref<1000000x16xf32, #tpu.memory_space<hbm>>) target(%arg23 : memref<1024x16xf32, #tpu.memory_space<vmem>>) offsets(%arg21 : memref<1024xi32, #tpu.memory_space<vmem>>) semaphore(%arg29 : memref<!tpu.dma_semaphore, #tpu.memory_space<semaphore_mem>>)
      %dma_start3A_200 = arith.constant 0 : i32
      %dma_start3A_201 = arith.constant 0 : i32
      %dma_start3A_202 = tpu.memref_slice %arg5[%dma_start3A_200, %dma_start3A_201] : memref<100000x16xf32, #tpu.memory_space<hbm>> -> memref<100000x16xf32, #tpu.memory_space<hbm>>
      tpu.enqueue_indirect_dma source(%dma_start3A_202 : memref<100000x16xf32, #tpu.memory_space<hbm>>) target(%arg24 : memref<1024x16xf32, #tpu.memory_space<vmem>>) offsets(%arg22 : memref<1024xi32, #tpu.memory_space<vmem>>) semaphore(%arg30 : memref<!tpu.dma_semaphore, #tpu.memory_space<semaphore_mem>>)
      %dma_start3A_203 = arith.constant 0 : i32
      %dma_start3A_204 = tpu.memref_slice %arg6[%dma_start3A_203] : memref<1000000xf32, #tpu.memory_space<hbm>> -> memref<1000000xf32, #tpu.memory_space<hbm>>
      tpu.enqueue_indirect_dma source(%dma_start3A_204 : memref<1000000xf32, #tpu.memory_space<hbm>>) target(%arg25 : memref<1024xf32, #tpu.memory_space<vmem>>) offsets(%arg21 : memref<1024xi32, #tpu.memory_space<vmem>>) semaphore(%arg31 : memref<!tpu.dma_semaphore, #tpu.memory_space<semaphore_mem>>)
      %dma_start3A_205 = arith.constant 0 : i32
      %dma_start3A_206 = tpu.memref_slice %arg7[%dma_start3A_205] : memref<100000xf32, #tpu.memory_space<hbm>> -> memref<100000xf32, #tpu.memory_space<hbm>>
      tpu.enqueue_indirect_dma source(%dma_start3A_206 : memref<100000xf32, #tpu.memory_space<hbm>>) target(%arg26 : memref<1024xf32, #tpu.memory_space<vmem>>) offsets(%arg22 : memref<1024xi32, #tpu.memory_space<vmem>>) semaphore(%arg32 : memref<!tpu.dma_semaphore, #tpu.memory_space<semaphore_mem>>)
      %dma_wait3A_207 = arith.constant 0 : i32
      %dma_wait3A_208 = arith.constant 0 : i32
      %dma_wait3A_209 = tpu.memref_slice %arg4[%dma_wait3A_207, %dma_wait3A_208] : memref<1000000x16xf32, #tpu.memory_space<hbm>> -> memref<1000000x16xf32, #tpu.memory_space<hbm>>
      tpu.wait_indirect_dma semaphore(%arg17 : memref<!tpu.dma_semaphore, #tpu.memory_space<semaphore_mem>>) src(%dma_wait3A_209 : memref<1000000x16xf32, #tpu.memory_space<hbm>>) dst(%arg11 : memref<1024x16xf32, #tpu.memory_space<vmem>>)
      %dma_wait3A_210 = arith.constant 0 : i32
      %dma_wait3A_211 = arith.constant 0 : i32
      %dma_wait3A_212 = tpu.memref_slice %arg5[%dma_wait3A_210, %dma_wait3A_211] : memref<100000x16xf32, #tpu.memory_space<hbm>> -> memref<100000x16xf32, #tpu.memory_space<hbm>>
      tpu.wait_indirect_dma semaphore(%arg18 : memref<!tpu.dma_semaphore, #tpu.memory_space<semaphore_mem>>) src(%dma_wait3A_212 : memref<100000x16xf32, #tpu.memory_space<hbm>>) dst(%arg12 : memref<1024x16xf32, #tpu.memory_space<vmem>>)
      %dma_wait3A_213 = arith.constant 0 : i32
      %dma_wait3A_214 = tpu.memref_slice %arg6[%dma_wait3A_213] : memref<1000000xf32, #tpu.memory_space<hbm>> -> memref<1000000xf32, #tpu.memory_space<hbm>>
      tpu.wait_indirect_dma semaphore(%arg19 : memref<!tpu.dma_semaphore, #tpu.memory_space<semaphore_mem>>) src(%dma_wait3A_214 : memref<1000000xf32, #tpu.memory_space<hbm>>) dst(%arg13 : memref<1024xf32, #tpu.memory_space<vmem>>)
      %dma_wait3A_215 = arith.constant 0 : i32
      %dma_wait3A_216 = tpu.memref_slice %arg7[%dma_wait3A_215] : memref<100000xf32, #tpu.memory_space<hbm>> -> memref<100000xf32, #tpu.memory_space<hbm>>
      tpu.wait_indirect_dma semaphore(%arg20 : memref<!tpu.dma_semaphore, #tpu.memory_space<semaphore_mem>>) src(%dma_wait3A_216 : memref<100000xf32, #tpu.memory_space<hbm>>) dst(%arg14 : memref<1024xf32, #tpu.memory_space<vmem>>)
      %add3A_217 = arith.constant 2 : i32
      %add3A_218 = arith.addi %mul3A_187, %add3A_217 : i32
      %mul3A_219 = arith.constant 1024 : i32
      %mul3A_220 = arith.muli %add3A_218, %mul3A_219 : i32
      %add3A_221 = arith.addi %mul3A_2, %mul3A_220 : i32
      %dma_start3A_222 = tpu.memref_slice %arg2[%add3A_221] : memref<327680xi32, #tpu.memory_space<hbm>> -> memref<1024xi32, #tpu.memory_space<hbm>>
      %dma_start3A_223 = tpu.memref_slice %arg2[%add3A_221] : memref<327680xi32, #tpu.memory_space<hbm>> -> memref<1024xi32, #tpu.memory_space<hbm>>
      tpu.enqueue_dma source(%dma_start3A_223 : memref<1024xi32, #tpu.memory_space<hbm>>) target(%arg9 : memref<1024xi32, #tpu.memory_space<vmem>>) target_semaphore(%arg16 : memref<!tpu.dma_semaphore, #tpu.memory_space<semaphore_mem>>)
      %dma_start3A_224 = tpu.memref_slice %arg3[%add3A_221] : memref<327680xi32, #tpu.memory_space<hbm>> -> memref<1024xi32, #tpu.memory_space<hbm>>
      %dma_start3A_225 = tpu.memref_slice %arg3[%add3A_221] : memref<327680xi32, #tpu.memory_space<hbm>> -> memref<1024xi32, #tpu.memory_space<hbm>>
      tpu.enqueue_dma source(%dma_start3A_225 : memref<1024xi32, #tpu.memory_space<hbm>>) target(%arg10 : memref<1024xi32, #tpu.memory_space<vmem>>) target_semaphore(%arg16 : memref<!tpu.dma_semaphore, #tpu.memory_space<semaphore_mem>>)
      %mul3A_226 = arith.constant 1024 : i32
      %mul3A_227 = arith.muli %mul3A_187, %mul3A_226 : i32
      %add3A_228 = arith.addi %mul3A_2, %mul3A_227 : i32
      %scan3A_229 = arith.constant 0 : i32
      %scan3A_230 = arith.constant 0 : i32
      %scan3A_231 = arith.constant 64 : i32
      %scan3A_232 = arith.addi %scan3A_230, %scan3A_231 : i32
      %scan3A_233 = arith.constant 1 : i32
      %scan3A_234 = scf.for %scan3A_287 = %scan3A_230 to %scan3A_232 step %scan3A_233 iter_args(%scan3A_288 = %scan3A_229) -> (i32)  : i32 {
        %mul3A_289 = arith.constant 16 : i32
        %mul3A_290 = arith.muli %scan3A_287, %mul3A_289 : i32
        %add3A_291 = vector.broadcast %mul3A_290 : i32 to vector<16xi32>
        %add3A_292 = arith.addi %add3A_291, %iota3A : vector<16xi32>
        %get3A = arith.index_cast %mul3A_290 : i32 to index
        %get3A_293 = tpu.vector_load %arg13[%get3A] {strides = array<i32>} : memref<1024xf32, #tpu.memory_space<vmem>>, vector<16xf32>,
        %get3A_294 = arith.index_cast %mul3A_290 : i32 to index
        %get3A_295 = tpu.vector_load %arg14[%get3A_294] {strides = array<i32>} : memref<1024xf32, #tpu.memory_space<vmem>>, vector<16xf32>,
        %add3A_296 = arith.addf %get3A_293, %get3A_295 : vector<16xf32>
        %gather3A = tpu.vector_load_idx %arg11[%add3A_292, %and3A_7] : memref<1024x16xf32, #tpu.memory_space<vmem>>[vector<16xi32>, vector<16xi32>], vector<16xf32>,
        %gather3A_297 = tpu.vector_load_idx %arg12[%add3A_292, %and3A_7] : memref<1024x16xf32, #tpu.memory_space<vmem>>[vector<16xi32>, vector<16xi32>], vector<16xf32>,
        %mul3A_298 = arith.mulf %gather3A, %gather3A_297 : vector<16xf32>
        %add3A_299 = arith.addf %add3A_296, %mul3A_298 : vector<16xf32>
        %gather3A_300 = tpu.vector_load_idx %arg11[%add3A_292, %and3A_13] : memref<1024x16xf32, #tpu.memory_space<vmem>>[vector<16xi32>, vector<16xi32>], vector<16xf32>,
        %gather3A_301 = tpu.vector_load_idx %arg12[%add3A_292, %and3A_13] : memref<1024x16xf32, #tpu.memory_space<vmem>>[vector<16xi32>, vector<16xi32>], vector<16xf32>,
        %mul3A_302 = arith.mulf %gather3A_300, %gather3A_301 : vector<16xf32>
        %add3A_303 = arith.addf %add3A_299, %mul3A_302 : vector<16xf32>
        %gather3A_304 = tpu.vector_load_idx %arg11[%add3A_292, %and3A_19] : memref<1024x16xf32, #tpu.memory_space<vmem>>[vector<16xi32>, vector<16xi32>], vector<16xf32>,
        %gather3A_305 = tpu.vector_load_idx %arg12[%add3A_292, %and3A_19] : memref<1024x16xf32, #tpu.memory_space<vmem>>[vector<16xi32>, vector<16xi32>], vector<16xf32>,
        %mul3A_306 = arith.mulf %gather3A_304, %gather3A_305 : vector<16xf32>
        %add3A_307 = arith.addf %add3A_303, %mul3A_306 : vector<16xf32>
        %gather3A_308 = tpu.vector_load_idx %arg11[%add3A_292, %and3A_25] : memref<1024x16xf32, #tpu.memory_space<vmem>>[vector<16xi32>, vector<16xi32>], vector<16xf32>,
        %gather3A_309 = tpu.vector_load_idx %arg12[%add3A_292, %and3A_25] : memref<1024x16xf32, #tpu.memory_space<vmem>>[vector<16xi32>, vector<16xi32>], vector<16xf32>,
        %mul3A_310 = arith.mulf %gather3A_308, %gather3A_309 : vector<16xf32>
        %add3A_311 = arith.addf %add3A_307, %mul3A_310 : vector<16xf32>
        %gather3A_312 = tpu.vector_load_idx %arg11[%add3A_292, %and3A_31] : memref<1024x16xf32, #tpu.memory_space<vmem>>[vector<16xi32>, vector<16xi32>], vector<16xf32>,
        %gather3A_313 = tpu.vector_load_idx %arg12[%add3A_292, %and3A_31] : memref<1024x16xf32, #tpu.memory_space<vmem>>[vector<16xi32>, vector<16xi32>], vector<16xf32>,
        %mul3A_314 = arith.mulf %gather3A_312, %gather3A_313 : vector<16xf32>
        %add3A_315 = arith.addf %add3A_311, %mul3A_314 : vector<16xf32>
        %gather3A_316 = tpu.vector_load_idx %arg11[%add3A_292, %and3A_37] : memref<1024x16xf32, #tpu.memory_space<vmem>>[vector<16xi32>, vector<16xi32>], vector<16xf32>,
        %gather3A_317 = tpu.vector_load_idx %arg12[%add3A_292, %and3A_37] : memref<1024x16xf32, #tpu.memory_space<vmem>>[vector<16xi32>, vector<16xi32>], vector<16xf32>,
        %mul3A_318 = arith.mulf %gather3A_316, %gather3A_317 : vector<16xf32>
        %add3A_319 = arith.addf %add3A_315, %mul3A_318 : vector<16xf32>
        %gather3A_320 = tpu.vector_load_idx %arg11[%add3A_292, %and3A_43] : memref<1024x16xf32, #tpu.memory_space<vmem>>[vector<16xi32>, vector<16xi32>], vector<16xf32>,
        %gather3A_321 = tpu.vector_load_idx %arg12[%add3A_292, %and3A_43] : memref<1024x16xf32, #tpu.memory_space<vmem>>[vector<16xi32>, vector<16xi32>], vector<16xf32>,
        %mul3A_322 = arith.mulf %gather3A_320, %gather3A_321 : vector<16xf32>
        %add3A_323 = arith.addf %add3A_319, %mul3A_322 : vector<16xf32>
        %gather3A_324 = tpu.vector_load_idx %arg11[%add3A_292, %and3A_49] : memref<1024x16xf32, #tpu.memory_space<vmem>>[vector<16xi32>, vector<16xi32>], vector<16xf32>,
        %gather3A_325 = tpu.vector_load_idx %arg12[%add3A_292, %and3A_49] : memref<1024x16xf32, #tpu.memory_space<vmem>>[vector<16xi32>, vector<16xi32>], vector<16xf32>,
        %mul3A_326 = arith.mulf %gather3A_324, %gather3A_325 : vector<16xf32>
        %add3A_327 = arith.addf %add3A_323, %mul3A_326 : vector<16xf32>
        %gather3A_328 = tpu.vector_load_idx %arg11[%add3A_292, %and3A_55] : memref<1024x16xf32, #tpu.memory_space<vmem>>[vector<16xi32>, vector<16xi32>], vector<16xf32>,
        %gather3A_329 = tpu.vector_load_idx %arg12[%add3A_292, %and3A_55] : memref<1024x16xf32, #tpu.memory_space<vmem>>[vector<16xi32>, vector<16xi32>], vector<16xf32>,
        %mul3A_330 = arith.mulf %gather3A_328, %gather3A_329 : vector<16xf32>
        %add3A_331 = arith.addf %add3A_327, %mul3A_330 : vector<16xf32>
        %gather3A_332 = tpu.vector_load_idx %arg11[%add3A_292, %and3A_61] : memref<1024x16xf32, #tpu.memory_space<vmem>>[vector<16xi32>, vector<16xi32>], vector<16xf32>,
        %gather3A_333 = tpu.vector_load_idx %arg12[%add3A_292, %and3A_61] : memref<1024x16xf32, #tpu.memory_space<vmem>>[vector<16xi32>, vector<16xi32>], vector<16xf32>,
        %mul3A_334 = arith.mulf %gather3A_332, %gather3A_333 : vector<16xf32>
        %add3A_335 = arith.addf %add3A_331, %mul3A_334 : vector<16xf32>
        %gather3A_336 = tpu.vector_load_idx %arg11[%add3A_292, %and3A_67] : memref<1024x16xf32, #tpu.memory_space<vmem>>[vector<16xi32>, vector<16xi32>], vector<16xf32>,
        %gather3A_337 = tpu.vector_load_idx %arg12[%add3A_292, %and3A_67] : memref<1024x16xf32, #tpu.memory_space<vmem>>[vector<16xi32>, vector<16xi32>], vector<16xf32>,
        %mul3A_338 = arith.mulf %gather3A_336, %gather3A_337 : vector<16xf32>
        %add3A_339 = arith.addf %add3A_335, %mul3A_338 : vector<16xf32>
        %gather3A_340 = tpu.vector_load_idx %arg11[%add3A_292, %and3A_73] : memref<1024x16xf32, #tpu.memory_space<vmem>>[vector<16xi32>, vector<16xi32>], vector<16xf32>,
        %gather3A_341 = tpu.vector_load_idx %arg12[%add3A_292, %and3A_73] : memref<1024x16xf32, #tpu.memory_space<vmem>>[vector<16xi32>, vector<16xi32>], vector<16xf32>,
        %mul3A_342 = arith.mulf %gather3A_340, %gather3A_341 : vector<16xf32>
        %add3A_343 = arith.addf %add3A_339, %mul3A_342 : vector<16xf32>
        %gather3A_344 = tpu.vector_load_idx %arg11[%add3A_292, %and3A_79] : memref<1024x16xf32, #tpu.memory_space<vmem>>[vector<16xi32>, vector<16xi32>], vector<16xf32>,
        %gather3A_345 = tpu.vector_load_idx %arg12[%add3A_292, %and3A_79] : memref<1024x16xf32, #tpu.memory_space<vmem>>[vector<16xi32>, vector<16xi32>], vector<16xf32>,
        %mul3A_346 = arith.mulf %gather3A_344, %gather3A_345 : vector<16xf32>
        %add3A_347 = arith.addf %add3A_343, %mul3A_346 : vector<16xf32>
        %gather3A_348 = tpu.vector_load_idx %arg11[%add3A_292, %and3A_85] : memref<1024x16xf32, #tpu.memory_space<vmem>>[vector<16xi32>, vector<16xi32>], vector<16xf32>,
        %gather3A_349 = tpu.vector_load_idx %arg12[%add3A_292, %and3A_85] : memref<1024x16xf32, #tpu.memory_space<vmem>>[vector<16xi32>, vector<16xi32>], vector<16xf32>,
        %mul3A_350 = arith.mulf %gather3A_348, %gather3A_349 : vector<16xf32>
        %add3A_351 = arith.addf %add3A_347, %mul3A_350 : vector<16xf32>
        %gather3A_352 = tpu.vector_load_idx %arg11[%add3A_292, %and3A_91] : memref<1024x16xf32, #tpu.memory_space<vmem>>[vector<16xi32>, vector<16xi32>], vector<16xf32>,
        %gather3A_353 = tpu.vector_load_idx %arg12[%add3A_292, %and3A_91] : memref<1024x16xf32, #tpu.memory_space<vmem>>[vector<16xi32>, vector<16xi32>], vector<16xf32>,
        %mul3A_354 = arith.mulf %gather3A_352, %gather3A_353 : vector<16xf32>
        %add3A_355 = arith.addf %add3A_351, %mul3A_354 : vector<16xf32>
        %gather3A_356 = tpu.vector_load_idx %arg11[%add3A_292, %and3A_97] : memref<1024x16xf32, #tpu.memory_space<vmem>>[vector<16xi32>, vector<16xi32>], vector<16xf32>,
        %gather3A_357 = tpu.vector_load_idx %arg12[%add3A_292, %and3A_97] : memref<1024x16xf32, #tpu.memory_space<vmem>>[vector<16xi32>, vector<16xi32>], vector<16xf32>,
        %mul3A_358 = arith.mulf %gather3A_356, %gather3A_357 : vector<16xf32>
        %add3A_359 = arith.addf %add3A_355, %mul3A_358 : vector<16xf32>
        %swap3A = arith.index_cast %mul3A_290 : i32 to index
        %swap3A_360 = tpu.vector_load %arg15[%swap3A] {strides = array<i32>} : memref<1024xf32, #tpu.memory_space<vmem>>, vector<16xf32>,
        tpu.vector_store %arg15[%swap3A], %add3A_359 {strides = array<i32>} : memref<1024xf32, #tpu.memory_space<vmem>>, vector<16xf32>,
        %scan3A_361 = arith.constant 0 : i32
        scf.yield %scan3A_361 : i32
      }
      %scan3A_235 = arith.constant 64 : i32
      "tpu.region"() ({
        %run_scoped3A = tpu.sem_alloc : memref<!tpu.dma_semaphore, #tpu.memory_space<semaphore_mem>>
        %dma_start3A_287 = tpu.memref_slice %arg8[%add3A_228] : memref<327680xf32, #tpu.memory_space<hbm>> -> memref<1024xf32, #tpu.memory_space<hbm>>
        %dma_start3A_288 = tpu.memref_slice %arg8[%add3A_228] : memref<327680xf32, #tpu.memory_space<hbm>> -> memref<1024xf32, #tpu.memory_space<hbm>>
        tpu.enqueue_dma source(%arg15 : memref<1024xf32, #tpu.memory_space<vmem>>) target(%dma_start3A_288 : memref<1024xf32, #tpu.memory_space<hbm>>) target_semaphore(%run_scoped3A : memref<!tpu.dma_semaphore, #tpu.memory_space<semaphore_mem>>)
        %dma_wait3A_289 = tpu.memref_slice %arg8[%add3A_228] : memref<327680xf32, #tpu.memory_space<hbm>> -> memref<1024xf32, #tpu.memory_space<hbm>>
        %dma_wait3A_290 = tpu.memref_slice %arg8[%add3A_228] : memref<327680xf32, #tpu.memory_space<hbm>> -> memref<1024xf32, #tpu.memory_space<hbm>>
        tpu.wait_dma2 semaphore(%run_scoped3A : memref<!tpu.dma_semaphore, #tpu.memory_space<semaphore_mem>>) src(%arg15 : memref<1024xf32, #tpu.memory_space<vmem>>) dst(%dma_wait3A_290 : memref<1024xf32, #tpu.memory_space<hbm>>)
        tpu.yield
      }) : () -> ()
      %add3A_236 = arith.constant 2 : i32
      %add3A_237 = arith.addi %mul3A_187, %add3A_236 : i32
      %mul3A_238 = arith.constant 1024 : i32
      %mul3A_239 = arith.muli %add3A_237, %mul3A_238 : i32
      %add3A_240 = arith.addi %mul3A_2, %mul3A_239 : i32
      %dma_wait3A_241 = tpu.memref_slice %arg2[%add3A_240] : memref<327680xi32, #tpu.memory_space<hbm>> -> memref<1024xi32, #tpu.memory_space<hbm>>
      %dma_wait3A_242 = tpu.memref_slice %arg2[%add3A_240] : memref<327680xi32, #tpu.memory_space<hbm>> -> memref<1024xi32, #tpu.memory_space<hbm>>
      tpu.wait_dma2 semaphore(%arg16 : memref<!tpu.dma_semaphore, #tpu.memory_space<semaphore_mem>>) src(%dma_wait3A_242 : memref<1024xi32, #tpu.memory_space<hbm>>) dst(%arg9 : memref<1024xi32, #tpu.memory_space<vmem>>)
      %dma_wait3A_243 = tpu.memref_slice %arg3[%add3A_240] : memref<327680xi32, #tpu.memory_space<hbm>> -> memref<1024xi32, #tpu.memory_space<hbm>>
      %dma_wait3A_244 = tpu.memref_slice %arg3[%add3A_240] : memref<327680xi32, #tpu.memory_space<hbm>> -> memref<1024xi32, #tpu.memory_space<hbm>>
      tpu.wait_dma2 semaphore(%arg16 : memref<!tpu.dma_semaphore, #tpu.memory_space<semaphore_mem>>) src(%dma_wait3A_244 : memref<1024xi32, #tpu.memory_space<hbm>>) dst(%arg10 : memref<1024xi32, #tpu.memory_space<vmem>>)
      %dma_start3A_245 = arith.constant 0 : i32
      %dma_start3A_246 = arith.constant 0 : i32
      %dma_start3A_247 = tpu.memref_slice %arg4[%dma_start3A_245, %dma_start3A_246] : memref<1000000x16xf32, #tpu.memory_space<hbm>> -> memref<1000000x16xf32, #tpu.memory_space<hbm>>
      tpu.enqueue_indirect_dma source(%dma_start3A_247 : memref<1000000x16xf32, #tpu.memory_space<hbm>>) target(%arg11 : memref<1024x16xf32, #tpu.memory_space<vmem>>) offsets(%arg9 : memref<1024xi32, #tpu.memory_space<vmem>>) semaphore(%arg17 : memref<!tpu.dma_semaphore, #tpu.memory_space<semaphore_mem>>)
      %dma_start3A_248 = arith.constant 0 : i32
      %dma_start3A_249 = arith.constant 0 : i32
      %dma_start3A_250 = tpu.memref_slice %arg5[%dma_start3A_248, %dma_start3A_249] : memref<100000x16xf32, #tpu.memory_space<hbm>> -> memref<100000x16xf32, #tpu.memory_space<hbm>>
      tpu.enqueue_indirect_dma source(%dma_start3A_250 : memref<100000x16xf32, #tpu.memory_space<hbm>>) target(%arg12 : memref<1024x16xf32, #tpu.memory_space<vmem>>) offsets(%arg10 : memref<1024xi32, #tpu.memory_space<vmem>>) semaphore(%arg18 : memref<!tpu.dma_semaphore, #tpu.memory_space<semaphore_mem>>)
      %dma_start3A_251 = arith.constant 0 : i32
      %dma_start3A_252 = tpu.memref_slice %arg6[%dma_start3A_251] : memref<1000000xf32, #tpu.memory_space<hbm>> -> memref<1000000xf32, #tpu.memory_space<hbm>>
      tpu.enqueue_indirect_dma source(%dma_start3A_252 : memref<1000000xf32, #tpu.memory_space<hbm>>) target(%arg13 : memref<1024xf32, #tpu.memory_space<vmem>>) offsets(%arg9 : memref<1024xi32, #tpu.memory_space<vmem>>) semaphore(%arg19 : memref<!tpu.dma_semaphore, #tpu.memory_space<semaphore_mem>>)
      %dma_start3A_253 = arith.constant 0 : i32
      %dma_start3A_254 = tpu.memref_slice %arg7[%dma_start3A_253] : memref<100000xf32, #tpu.memory_space<hbm>> -> memref<100000xf32, #tpu.memory_space<hbm>>
      tpu.enqueue_indirect_dma source(%dma_start3A_254 : memref<100000xf32, #tpu.memory_space<hbm>>) target(%arg14 : memref<1024xf32, #tpu.memory_space<vmem>>) offsets(%arg10 : memref<1024xi32, #tpu.memory_space<vmem>>) semaphore(%arg20 : memref<!tpu.dma_semaphore, #tpu.memory_space<semaphore_mem>>)
      %add3A_255 = arith.constant 3 : i32
      %add3A_256 = arith.addi %mul3A_187, %add3A_255 : i32
      %mul3A_257 = arith.constant 1024 : i32
      %mul3A_258 = arith.muli %add3A_256, %mul3A_257 : i32
      %add3A_259 = arith.addi %mul3A_2, %mul3A_258 : i32
      %dma_start3A_260 = tpu.memref_slice %arg2[%add3A_259] : memref<327680xi32, #tpu.memory_space<hbm>> -> memref<1024xi32, #tpu.memory_space<hbm>>
      %dma_start3A_261 = tpu.memref_slice %arg2[%add3A_259] : memref<327680xi32, #tpu.memory_space<hbm>> -> memref<1024xi32, #tpu.memory_space<hbm>>
      tpu.enqueue_dma source(%dma_start3A_261 : memref<1024xi32, #tpu.memory_space<hbm>>) target(%arg21 : memref<1024xi32, #tpu.memory_space<vmem>>) target_semaphore(%arg28 : memref<!tpu.dma_semaphore, #tpu.memory_space<semaphore_mem>>)
      %dma_start3A_262 = tpu.memref_slice %arg3[%add3A_259] : memref<327680xi32, #tpu.memory_space<hbm>> -> memref<1024xi32, #tpu.memory_space<hbm>>
      %dma_start3A_263 = tpu.memref_slice %arg3[%add3A_259] : memref<327680xi32, #tpu.memory_space<hbm>> -> memref<1024xi32, #tpu.memory_space<hbm>>
      tpu.enqueue_dma source(%dma_start3A_263 : memref<1024xi32, #tpu.memory_space<hbm>>) target(%arg22 : memref<1024xi32, #tpu.memory_space<vmem>>) target_semaphore(%arg28 : memref<!tpu.dma_semaphore, #tpu.memory_space<semaphore_mem>>)
      %dma_wait3A_264 = arith.constant 0 : i32
      %dma_wait3A_265 = arith.constant 0 : i32
      %dma_wait3A_266 = tpu.memref_slice %arg4[%dma_wait3A_264, %dma_wait3A_265] : memref<1000000x16xf32, #tpu.memory_space<hbm>> -> memref<1000000x16xf32, #tpu.memory_space<hbm>>
      tpu.wait_indirect_dma semaphore(%arg29 : memref<!tpu.dma_semaphore, #tpu.memory_space<semaphore_mem>>) src(%dma_wait3A_266 : memref<1000000x16xf32, #tpu.memory_space<hbm>>) dst(%arg23 : memref<1024x16xf32, #tpu.memory_space<vmem>>)
      %dma_wait3A_267 = arith.constant 0 : i32
      %dma_wait3A_268 = arith.constant 0 : i32
      %dma_wait3A_269 = tpu.memref_slice %arg5[%dma_wait3A_267, %dma_wait3A_268] : memref<100000x16xf32, #tpu.memory_space<hbm>> -> memref<100000x16xf32, #tpu.memory_space<hbm>>
      tpu.wait_indirect_dma semaphore(%arg30 : memref<!tpu.dma_semaphore, #tpu.memory_space<semaphore_mem>>) src(%dma_wait3A_269 : memref<100000x16xf32, #tpu.memory_space<hbm>>) dst(%arg24 : memref<1024x16xf32, #tpu.memory_space<vmem>>)
      %dma_wait3A_270 = arith.constant 0 : i32
      %dma_wait3A_271 = tpu.memref_slice %arg6[%dma_wait3A_270] : memref<1000000xf32, #tpu.memory_space<hbm>> -> memref<1000000xf32, #tpu.memory_space<hbm>>
      tpu.wait_indirect_dma semaphore(%arg31 : memref<!tpu.dma_semaphore, #tpu.memory_space<semaphore_mem>>) src(%dma_wait3A_271 : memref<1000000xf32, #tpu.memory_space<hbm>>) dst(%arg25 : memref<1024xf32, #tpu.memory_space<vmem>>)
      %dma_wait3A_272 = arith.constant 0 : i32
      %dma_wait3A_273 = tpu.memref_slice %arg7[%dma_wait3A_272] : memref<100000xf32, #tpu.memory_space<hbm>> -> memref<100000xf32, #tpu.memory_space<hbm>>
      tpu.wait_indirect_dma semaphore(%arg32 : memref<!tpu.dma_semaphore, #tpu.memory_space<semaphore_mem>>) src(%dma_wait3A_273 : memref<100000xf32, #tpu.memory_space<hbm>>) dst(%arg26 : memref<1024xf32, #tpu.memory_space<vmem>>)
      %add3A_274 = arith.constant 1 : i32
      %add3A_275 = arith.addi %mul3A_187, %add3A_274 : i32
      %mul3A_276 = arith.constant 1024 : i32
      %mul3A_277 = arith.muli %add3A_275, %mul3A_276 : i32
      %add3A_278 = arith.addi %mul3A_2, %mul3A_277 : i32
      %scan3A_279 = arith.constant 0 : i32
      %scan3A_280 = arith.constant 0 : i32
      %scan3A_281 = arith.constant 64 : i32
      %scan3A_282 = arith.addi %scan3A_280, %scan3A_281 : i32
      %scan3A_283 = arith.constant 1 : i32
      %scan3A_284 = scf.for %scan3A_287 = %scan3A_280 to %scan3A_282 step %scan3A_283 iter_args(%scan3A_288 = %scan3A_279) -> (i32)  : i32 {
        %mul3A_289 = arith.constant 16 : i32
        %mul3A_290 = arith.muli %scan3A_287, %mul3A_289 : i32
        %add3A_291 = vector.broadcast %mul3A_290 : i32 to vector<16xi32>
        %add3A_292 = arith.addi %add3A_291, %iota3A : vector<16xi32>
        %get3A = arith.index_cast %mul3A_290 : i32 to index
        %get3A_293 = tpu.vector_load %arg25[%get3A] {strides = array<i32>} : memref<1024xf32, #tpu.memory_space<vmem>>, vector<16xf32>,
        %get3A_294 = arith.index_cast %mul3A_290 : i32 to index
        %get3A_295 = tpu.vector_load %arg26[%get3A_294] {strides = array<i32>} : memref<1024xf32, #tpu.memory_space<vmem>>, vector<16xf32>,
        %add3A_296 = arith.addf %get3A_293, %get3A_295 : vector<16xf32>
        %gather3A = tpu.vector_load_idx %arg23[%add3A_292, %and3A_7] : memref<1024x16xf32, #tpu.memory_space<vmem>>[vector<16xi32>, vector<16xi32>], vector<16xf32>,
        %gather3A_297 = tpu.vector_load_idx %arg24[%add3A_292, %and3A_7] : memref<1024x16xf32, #tpu.memory_space<vmem>>[vector<16xi32>, vector<16xi32>], vector<16xf32>,
        %mul3A_298 = arith.mulf %gather3A, %gather3A_297 : vector<16xf32>
        %add3A_299 = arith.addf %add3A_296, %mul3A_298 : vector<16xf32>
        %gather3A_300 = tpu.vector_load_idx %arg23[%add3A_292, %and3A_13] : memref<1024x16xf32, #tpu.memory_space<vmem>>[vector<16xi32>, vector<16xi32>], vector<16xf32>,
        %gather3A_301 = tpu.vector_load_idx %arg24[%add3A_292, %and3A_13] : memref<1024x16xf32, #tpu.memory_space<vmem>>[vector<16xi32>, vector<16xi32>], vector<16xf32>,
        %mul3A_302 = arith.mulf %gather3A_300, %gather3A_301 : vector<16xf32>
        %add3A_303 = arith.addf %add3A_299, %mul3A_302 : vector<16xf32>
        %gather3A_304 = tpu.vector_load_idx %arg23[%add3A_292, %and3A_19] : memref<1024x16xf32, #tpu.memory_space<vmem>>[vector<16xi32>, vector<16xi32>], vector<16xf32>,
        %gather3A_305 = tpu.vector_load_idx %arg24[%add3A_292, %and3A_19] : memref<1024x16xf32, #tpu.memory_space<vmem>>[vector<16xi32>, vector<16xi32>], vector<16xf32>,
        %mul3A_306 = arith.mulf %gather3A_304, %gather3A_305 : vector<16xf32>
        %add3A_307 = arith.addf %add3A_303, %mul3A_306 : vector<16xf32>
        %gather3A_308 = tpu.vector_load_idx %arg23[%add3A_292, %and3A_25] : memref<1024x16xf32, #tpu.memory_space<vmem>>[vector<16xi32>, vector<16xi32>], vector<16xf32>,
        %gather3A_309 = tpu.vector_load_idx %arg24[%add3A_292, %and3A_25] : memref<1024x16xf32, #tpu.memory_space<vmem>>[vector<16xi32>, vector<16xi32>], vector<16xf32>,
        %mul3A_310 = arith.mulf %gather3A_308, %gather3A_309 : vector<16xf32>
        %add3A_311 = arith.addf %add3A_307, %mul3A_310 : vector<16xf32>
        %gather3A_312 = tpu.vector_load_idx %arg23[%add3A_292, %and3A_31] : memref<1024x16xf32, #tpu.memory_space<vmem>>[vector<16xi32>, vector<16xi32>], vector<16xf32>,
        %gather3A_313 = tpu.vector_load_idx %arg24[%add3A_292, %and3A_31] : memref<1024x16xf32, #tpu.memory_space<vmem>>[vector<16xi32>, vector<16xi32>], vector<16xf32>,
        %mul3A_314 = arith.mulf %gather3A_312, %gather3A_313 : vector<16xf32>
        %add3A_315 = arith.addf %add3A_311, %mul3A_314 : vector<16xf32>
        %gather3A_316 = tpu.vector_load_idx %arg23[%add3A_292, %and3A_37] : memref<1024x16xf32, #tpu.memory_space<vmem>>[vector<16xi32>, vector<16xi32>], vector<16xf32>,
        %gather3A_317 = tpu.vector_load_idx %arg24[%add3A_292, %and3A_37] : memref<1024x16xf32, #tpu.memory_space<vmem>>[vector<16xi32>, vector<16xi32>], vector<16xf32>,
        %mul3A_318 = arith.mulf %gather3A_316, %gather3A_317 : vector<16xf32>
        %add3A_319 = arith.addf %add3A_315, %mul3A_318 : vector<16xf32>
        %gather3A_320 = tpu.vector_load_idx %arg23[%add3A_292, %and3A_43] : memref<1024x16xf32, #tpu.memory_space<vmem>>[vector<16xi32>, vector<16xi32>], vector<16xf32>,
        %gather3A_321 = tpu.vector_load_idx %arg24[%add3A_292, %and3A_43] : memref<1024x16xf32, #tpu.memory_space<vmem>>[vector<16xi32>, vector<16xi32>], vector<16xf32>,
        %mul3A_322 = arith.mulf %gather3A_320, %gather3A_321 : vector<16xf32>
        %add3A_323 = arith.addf %add3A_319, %mul3A_322 : vector<16xf32>
        %gather3A_324 = tpu.vector_load_idx %arg23[%add3A_292, %and3A_49] : memref<1024x16xf32, #tpu.memory_space<vmem>>[vector<16xi32>, vector<16xi32>], vector<16xf32>,
        %gather3A_325 = tpu.vector_load_idx %arg24[%add3A_292, %and3A_49] : memref<1024x16xf32, #tpu.memory_space<vmem>>[vector<16xi32>, vector<16xi32>], vector<16xf32>,
        %mul3A_326 = arith.mulf %gather3A_324, %gather3A_325 : vector<16xf32>
        %add3A_327 = arith.addf %add3A_323, %mul3A_326 : vector<16xf32>
        %gather3A_328 = tpu.vector_load_idx %arg23[%add3A_292, %and3A_55] : memref<1024x16xf32, #tpu.memory_space<vmem>>[vector<16xi32>, vector<16xi32>], vector<16xf32>,
        %gather3A_329 = tpu.vector_load_idx %arg24[%add3A_292, %and3A_55] : memref<1024x16xf32, #tpu.memory_space<vmem>>[vector<16xi32>, vector<16xi32>], vector<16xf32>,
        %mul3A_330 = arith.mulf %gather3A_328, %gather3A_329 : vector<16xf32>
        %add3A_331 = arith.addf %add3A_327, %mul3A_330 : vector<16xf32>
        %gather3A_332 = tpu.vector_load_idx %arg23[%add3A_292, %and3A_61] : memref<1024x16xf32, #tpu.memory_space<vmem>>[vector<16xi32>, vector<16xi32>], vector<16xf32>,
        %gather3A_333 = tpu.vector_load_idx %arg24[%add3A_292, %and3A_61] : memref<1024x16xf32, #tpu.memory_space<vmem>>[vector<16xi32>, vector<16xi32>], vector<16xf32>,
        %mul3A_334 = arith.mulf %gather3A_332, %gather3A_333 : vector<16xf32>
        %add3A_335 = arith.addf %add3A_331, %mul3A_334 : vector<16xf32>
        %gather3A_336 = tpu.vector_load_idx %arg23[%add3A_292, %and3A_67] : memref<1024x16xf32, #tpu.memory_space<vmem>>[vector<16xi32>, vector<16xi32>], vector<16xf32>,
        %gather3A_337 = tpu.vector_load_idx %arg24[%add3A_292, %and3A_67] : memref<1024x16xf32, #tpu.memory_space<vmem>>[vector<16xi32>, vector<16xi32>], vector<16xf32>,
        %mul3A_338 = arith.mulf %gather3A_336, %gather3A_337 : vector<16xf32>
        %add3A_339 = arith.addf %add3A_335, %mul3A_338 : vector<16xf32>
        %gather3A_340 = tpu.vector_load_idx %arg23[%add3A_292, %and3A_73] : memref<1024x16xf32, #tpu.memory_space<vmem>>[vector<16xi32>, vector<16xi32>], vector<16xf32>,
        %gather3A_341 = tpu.vector_load_idx %arg24[%add3A_292, %and3A_73] : memref<1024x16xf32, #tpu.memory_space<vmem>>[vector<16xi32>, vector<16xi32>], vector<16xf32>,
        %mul3A_342 = arith.mulf %gather3A_340, %gather3A_341 : vector<16xf32>
        %add3A_343 = arith.addf %add3A_339, %mul3A_342 : vector<16xf32>
        %gather3A_344 = tpu.vector_load_idx %arg23[%add3A_292, %and3A_79] : memref<1024x16xf32, #tpu.memory_space<vmem>>[vector<16xi32>, vector<16xi32>], vector<16xf32>,
        %gather3A_345 = tpu.vector_load_idx %arg24[%add3A_292, %and3A_79] : memref<1024x16xf32, #tpu.memory_space<vmem>>[vector<16xi32>, vector<16xi32>], vector<16xf32>,
        %mul3A_346 = arith.mulf %gather3A_344, %gather3A_345 : vector<16xf32>
        %add3A_347 = arith.addf %add3A_343, %mul3A_346 : vector<16xf32>
        %gather3A_348 = tpu.vector_load_idx %arg23[%add3A_292, %and3A_85] : memref<1024x16xf32, #tpu.memory_space<vmem>>[vector<16xi32>, vector<16xi32>], vector<16xf32>,
        %gather3A_349 = tpu.vector_load_idx %arg24[%add3A_292, %and3A_85] : memref<1024x16xf32, #tpu.memory_space<vmem>>[vector<16xi32>, vector<16xi32>], vector<16xf32>,
        %mul3A_350 = arith.mulf %gather3A_348, %gather3A_349 : vector<16xf32>
        %add3A_351 = arith.addf %add3A_347, %mul3A_350 : vector<16xf32>
        %gather3A_352 = tpu.vector_load_idx %arg23[%add3A_292, %and3A_91] : memref<1024x16xf32, #tpu.memory_space<vmem>>[vector<16xi32>, vector<16xi32>], vector<16xf32>,
        %gather3A_353 = tpu.vector_load_idx %arg24[%add3A_292, %and3A_91] : memref<1024x16xf32, #tpu.memory_space<vmem>>[vector<16xi32>, vector<16xi32>], vector<16xf32>,
        %mul3A_354 = arith.mulf %gather3A_352, %gather3A_353 : vector<16xf32>
        %add3A_355 = arith.addf %add3A_351, %mul3A_354 : vector<16xf32>
        %gather3A_356 = tpu.vector_load_idx %arg23[%add3A_292, %and3A_97] : memref<1024x16xf32, #tpu.memory_space<vmem>>[vector<16xi32>, vector<16xi32>], vector<16xf32>,
        %gather3A_357 = tpu.vector_load_idx %arg24[%add3A_292, %and3A_97] : memref<1024x16xf32, #tpu.memory_space<vmem>>[vector<16xi32>, vector<16xi32>], vector<16xf32>,
        %mul3A_358 = arith.mulf %gather3A_356, %gather3A_357 : vector<16xf32>
        %add3A_359 = arith.addf %add3A_355, %mul3A_358 : vector<16xf32>
        %swap3A = arith.index_cast %mul3A_290 : i32 to index
        %swap3A_360 = tpu.vector_load %arg27[%swap3A] {strides = array<i32>} : memref<1024xf32, #tpu.memory_space<vmem>>, vector<16xf32>,
        tpu.vector_store %arg27[%swap3A], %add3A_359 {strides = array<i32>} : memref<1024xf32, #tpu.memory_space<vmem>>, vector<16xf32>,
        %scan3A_361 = arith.constant 0 : i32
        scf.yield %scan3A_361 : i32
      }
      %scan3A_285 = arith.constant 64 : i32
      "tpu.region"() ({
        %run_scoped3A = tpu.sem_alloc : memref<!tpu.dma_semaphore, #tpu.memory_space<semaphore_mem>>
        %dma_start3A_287 = tpu.memref_slice %arg8[%add3A_278] : memref<327680xf32, #tpu.memory_space<hbm>> -> memref<1024xf32, #tpu.memory_space<hbm>>
        %dma_start3A_288 = tpu.memref_slice %arg8[%add3A_278] : memref<327680xf32, #tpu.memory_space<hbm>> -> memref<1024xf32, #tpu.memory_space<hbm>>
        tpu.enqueue_dma source(%arg27 : memref<1024xf32, #tpu.memory_space<vmem>>) target(%dma_start3A_288 : memref<1024xf32, #tpu.memory_space<hbm>>) target_semaphore(%run_scoped3A : memref<!tpu.dma_semaphore, #tpu.memory_space<semaphore_mem>>)
        %dma_wait3A_289 = tpu.memref_slice %arg8[%add3A_278] : memref<327680xf32, #tpu.memory_space<hbm>> -> memref<1024xf32, #tpu.memory_space<hbm>>
        %dma_wait3A_290 = tpu.memref_slice %arg8[%add3A_278] : memref<327680xf32, #tpu.memory_space<hbm>> -> memref<1024xf32, #tpu.memory_space<hbm>>
        tpu.wait_dma2 semaphore(%run_scoped3A : memref<!tpu.dma_semaphore, #tpu.memory_space<semaphore_mem>>) src(%arg27 : memref<1024xf32, #tpu.memory_space<vmem>>) dst(%dma_wait3A_290 : memref<1024xf32, #tpu.memory_space<hbm>>)
        tpu.yield
      }) : () -> ()
      %scan3A_286 = arith.constant 0 : i32
      scf.yield %scan3A_286 : i32
    }
    %scan3A_129 = arith.constant 4 : i32
    %add3A_130 = arith.constant 9216 : i32
    %add3A_131 = arith.addi %mul3A_2, %add3A_130 : i32
    %dma_wait3A_132 = tpu.memref_slice %arg2[%add3A_131] : memref<327680xi32, #tpu.memory_space<hbm>> -> memref<1024xi32, #tpu.memory_space<hbm>>
    %dma_wait3A_133 = tpu.memref_slice %arg2[%add3A_131] : memref<327680xi32, #tpu.memory_space<hbm>> -> memref<1024xi32, #tpu.memory_space<hbm>>
    tpu.wait_dma2 semaphore(%arg28 : memref<!tpu.dma_semaphore, #tpu.memory_space<semaphore_mem>>) src(%dma_wait3A_133 : memref<1024xi32, #tpu.memory_space<hbm>>) dst(%arg21 : memref<1024xi32, #tpu.memory_space<vmem>>)
    %dma_wait3A_134 = tpu.memref_slice %arg3[%add3A_131] : memref<327680xi32, #tpu.memory_space<hbm>> -> memref<1024xi32, #tpu.memory_space<hbm>>
    %dma_wait3A_135 = tpu.memref_slice %arg3[%add3A_131] : memref<327680xi32, #tpu.memory_space<hbm>> -> memref<1024xi32, #tpu.memory_space<hbm>>
    tpu.wait_dma2 semaphore(%arg28 : memref<!tpu.dma_semaphore, #tpu.memory_space<semaphore_mem>>) src(%dma_wait3A_135 : memref<1024xi32, #tpu.memory_space<hbm>>) dst(%arg22 : memref<1024xi32, #tpu.memory_space<vmem>>)
    %dma_start3A_136 = arith.constant 0 : i32
    %dma_start3A_137 = arith.constant 0 : i32
    %dma_start3A_138 = tpu.memref_slice %arg4[%dma_start3A_136, %dma_start3A_137] : memref<1000000x16xf32, #tpu.memory_space<hbm>> -> memref<1000000x16xf32, #tpu.memory_space<hbm>>
    tpu.enqueue_indirect_dma source(%dma_start3A_138 : memref<1000000x16xf32, #tpu.memory_space<hbm>>) target(%arg23 : memref<1024x16xf32, #tpu.memory_space<vmem>>) offsets(%arg21 : memref<1024xi32, #tpu.memory_space<vmem>>) semaphore(%arg29 : memref<!tpu.dma_semaphore, #tpu.memory_space<semaphore_mem>>)
    %dma_start3A_139 = arith.constant 0 : i32
    %dma_start3A_140 = arith.constant 0 : i32
    %dma_start3A_141 = tpu.memref_slice %arg5[%dma_start3A_139, %dma_start3A_140] : memref<100000x16xf32, #tpu.memory_space<hbm>> -> memref<100000x16xf32, #tpu.memory_space<hbm>>
    tpu.enqueue_indirect_dma source(%dma_start3A_141 : memref<100000x16xf32, #tpu.memory_space<hbm>>) target(%arg24 : memref<1024x16xf32, #tpu.memory_space<vmem>>) offsets(%arg22 : memref<1024xi32, #tpu.memory_space<vmem>>) semaphore(%arg30 : memref<!tpu.dma_semaphore, #tpu.memory_space<semaphore_mem>>)
    %dma_start3A_142 = arith.constant 0 : i32
    %dma_start3A_143 = tpu.memref_slice %arg6[%dma_start3A_142] : memref<1000000xf32, #tpu.memory_space<hbm>> -> memref<1000000xf32, #tpu.memory_space<hbm>>
    tpu.enqueue_indirect_dma source(%dma_start3A_143 : memref<1000000xf32, #tpu.memory_space<hbm>>) target(%arg25 : memref<1024xf32, #tpu.memory_space<vmem>>) offsets(%arg21 : memref<1024xi32, #tpu.memory_space<vmem>>) semaphore(%arg31 : memref<!tpu.dma_semaphore, #tpu.memory_space<semaphore_mem>>)
    %dma_start3A_144 = arith.constant 0 : i32
    %dma_start3A_145 = tpu.memref_slice %arg7[%dma_start3A_144] : memref<100000xf32, #tpu.memory_space<hbm>> -> memref<100000xf32, #tpu.memory_space<hbm>>
    tpu.enqueue_indirect_dma source(%dma_start3A_145 : memref<100000xf32, #tpu.memory_space<hbm>>) target(%arg26 : memref<1024xf32, #tpu.memory_space<vmem>>) offsets(%arg22 : memref<1024xi32, #tpu.memory_space<vmem>>) semaphore(%arg32 : memref<!tpu.dma_semaphore, #tpu.memory_space<semaphore_mem>>)
    %dma_wait3A_146 = arith.constant 0 : i32
    %dma_wait3A_147 = arith.constant 0 : i32
    %dma_wait3A_148 = tpu.memref_slice %arg4[%dma_wait3A_146, %dma_wait3A_147] : memref<1000000x16xf32, #tpu.memory_space<hbm>> -> memref<1000000x16xf32, #tpu.memory_space<hbm>>
    tpu.wait_indirect_dma semaphore(%arg17 : memref<!tpu.dma_semaphore, #tpu.memory_space<semaphore_mem>>) src(%dma_wait3A_148 : memref<1000000x16xf32, #tpu.memory_space<hbm>>) dst(%arg11 : memref<1024x16xf32, #tpu.memory_space<vmem>>)
    %dma_wait3A_149 = arith.constant 0 : i32
    %dma_wait3A_150 = arith.constant 0 : i32
    %dma_wait3A_151 = tpu.memref_slice %arg5[%dma_wait3A_149, %dma_wait3A_150] : memref<100000x16xf32, #tpu.memory_space<hbm>> -> memref<100000x16xf32, #tpu.memory_space<hbm>>
    tpu.wait_indirect_dma semaphore(%arg18 : memref<!tpu.dma_semaphore, #tpu.memory_space<semaphore_mem>>) src(%dma_wait3A_151 : memref<100000x16xf32, #tpu.memory_space<hbm>>) dst(%arg12 : memref<1024x16xf32, #tpu.memory_space<vmem>>)
    %dma_wait3A_152 = arith.constant 0 : i32
    %dma_wait3A_153 = tpu.memref_slice %arg6[%dma_wait3A_152] : memref<1000000xf32, #tpu.memory_space<hbm>> -> memref<1000000xf32, #tpu.memory_space<hbm>>
    tpu.wait_indirect_dma semaphore(%arg19 : memref<!tpu.dma_semaphore, #tpu.memory_space<semaphore_mem>>) src(%dma_wait3A_153 : memref<1000000xf32, #tpu.memory_space<hbm>>) dst(%arg13 : memref<1024xf32, #tpu.memory_space<vmem>>)
    %dma_wait3A_154 = arith.constant 0 : i32
    %dma_wait3A_155 = tpu.memref_slice %arg7[%dma_wait3A_154] : memref<100000xf32, #tpu.memory_space<hbm>> -> memref<100000xf32, #tpu.memory_space<hbm>>
    tpu.wait_indirect_dma semaphore(%arg20 : memref<!tpu.dma_semaphore, #tpu.memory_space<semaphore_mem>>) src(%dma_wait3A_155 : memref<100000xf32, #tpu.memory_space<hbm>>) dst(%arg14 : memref<1024xf32, #tpu.memory_space<vmem>>)
    %add3A_156 = arith.constant 8192 : i32
    %add3A_157 = arith.addi %mul3A_2, %add3A_156 : i32
    %scan3A_158 = arith.constant 0 : i32
    %scan3A_159 = arith.constant 0 : i32
    %scan3A_160 = arith.constant 64 : i32
    %scan3A_161 = arith.addi %scan3A_159, %scan3A_160 : i32
    %scan3A_162 = arith.constant 1 : i32
    %scan3A_163 = scf.for %scan3A_184 = %scan3A_159 to %scan3A_161 step %scan3A_162 iter_args(%scan3A_185 = %scan3A_158) -> (i32)  : i32 {
      %mul3A_186 = arith.constant 16 : i32
      %mul3A_187 = arith.muli %scan3A_184, %mul3A_186 : i32
      %add3A_188 = vector.broadcast %mul3A_187 : i32 to vector<16xi32>
      %add3A_189 = arith.addi %add3A_188, %iota3A : vector<16xi32>
      %get3A = arith.index_cast %mul3A_187 : i32 to index
      %get3A_190 = tpu.vector_load %arg13[%get3A] {strides = array<i32>} : memref<1024xf32, #tpu.memory_space<vmem>>, vector<16xf32>,
      %get3A_191 = arith.index_cast %mul3A_187 : i32 to index
      %get3A_192 = tpu.vector_load %arg14[%get3A_191] {strides = array<i32>} : memref<1024xf32, #tpu.memory_space<vmem>>, vector<16xf32>,
      %add3A_193 = arith.addf %get3A_190, %get3A_192 : vector<16xf32>
      %gather3A = tpu.vector_load_idx %arg11[%add3A_189, %and3A_7] : memref<1024x16xf32, #tpu.memory_space<vmem>>[vector<16xi32>, vector<16xi32>], vector<16xf32>,
      %gather3A_194 = tpu.vector_load_idx %arg12[%add3A_189, %and3A_7] : memref<1024x16xf32, #tpu.memory_space<vmem>>[vector<16xi32>, vector<16xi32>], vector<16xf32>,
      %mul3A_195 = arith.mulf %gather3A, %gather3A_194 : vector<16xf32>
      %add3A_196 = arith.addf %add3A_193, %mul3A_195 : vector<16xf32>
      %gather3A_197 = tpu.vector_load_idx %arg11[%add3A_189, %and3A_13] : memref<1024x16xf32, #tpu.memory_space<vmem>>[vector<16xi32>, vector<16xi32>], vector<16xf32>,
      %gather3A_198 = tpu.vector_load_idx %arg12[%add3A_189, %and3A_13] : memref<1024x16xf32, #tpu.memory_space<vmem>>[vector<16xi32>, vector<16xi32>], vector<16xf32>,
      %mul3A_199 = arith.mulf %gather3A_197, %gather3A_198 : vector<16xf32>
      %add3A_200 = arith.addf %add3A_196, %mul3A_199 : vector<16xf32>
      %gather3A_201 = tpu.vector_load_idx %arg11[%add3A_189, %and3A_19] : memref<1024x16xf32, #tpu.memory_space<vmem>>[vector<16xi32>, vector<16xi32>], vector<16xf32>,
      %gather3A_202 = tpu.vector_load_idx %arg12[%add3A_189, %and3A_19] : memref<1024x16xf32, #tpu.memory_space<vmem>>[vector<16xi32>, vector<16xi32>], vector<16xf32>,
      %mul3A_203 = arith.mulf %gather3A_201, %gather3A_202 : vector<16xf32>
      %add3A_204 = arith.addf %add3A_200, %mul3A_203 : vector<16xf32>
      %gather3A_205 = tpu.vector_load_idx %arg11[%add3A_189, %and3A_25] : memref<1024x16xf32, #tpu.memory_space<vmem>>[vector<16xi32>, vector<16xi32>], vector<16xf32>,
      %gather3A_206 = tpu.vector_load_idx %arg12[%add3A_189, %and3A_25] : memref<1024x16xf32, #tpu.memory_space<vmem>>[vector<16xi32>, vector<16xi32>], vector<16xf32>,
      %mul3A_207 = arith.mulf %gather3A_205, %gather3A_206 : vector<16xf32>
      %add3A_208 = arith.addf %add3A_204, %mul3A_207 : vector<16xf32>
      %gather3A_209 = tpu.vector_load_idx %arg11[%add3A_189, %and3A_31] : memref<1024x16xf32, #tpu.memory_space<vmem>>[vector<16xi32>, vector<16xi32>], vector<16xf32>,
      %gather3A_210 = tpu.vector_load_idx %arg12[%add3A_189, %and3A_31] : memref<1024x16xf32, #tpu.memory_space<vmem>>[vector<16xi32>, vector<16xi32>], vector<16xf32>,
      %mul3A_211 = arith.mulf %gather3A_209, %gather3A_210 : vector<16xf32>
      %add3A_212 = arith.addf %add3A_208, %mul3A_211 : vector<16xf32>
      %gather3A_213 = tpu.vector_load_idx %arg11[%add3A_189, %and3A_37] : memref<1024x16xf32, #tpu.memory_space<vmem>>[vector<16xi32>, vector<16xi32>], vector<16xf32>,
      %gather3A_214 = tpu.vector_load_idx %arg12[%add3A_189, %and3A_37] : memref<1024x16xf32, #tpu.memory_space<vmem>>[vector<16xi32>, vector<16xi32>], vector<16xf32>,
      %mul3A_215 = arith.mulf %gather3A_213, %gather3A_214 : vector<16xf32>
      %add3A_216 = arith.addf %add3A_212, %mul3A_215 : vector<16xf32>
      %gather3A_217 = tpu.vector_load_idx %arg11[%add3A_189, %and3A_43] : memref<1024x16xf32, #tpu.memory_space<vmem>>[vector<16xi32>, vector<16xi32>], vector<16xf32>,
      %gather3A_218 = tpu.vector_load_idx %arg12[%add3A_189, %and3A_43] : memref<1024x16xf32, #tpu.memory_space<vmem>>[vector<16xi32>, vector<16xi32>], vector<16xf32>,
      %mul3A_219 = arith.mulf %gather3A_217, %gather3A_218 : vector<16xf32>
      %add3A_220 = arith.addf %add3A_216, %mul3A_219 : vector<16xf32>
      %gather3A_221 = tpu.vector_load_idx %arg11[%add3A_189, %and3A_49] : memref<1024x16xf32, #tpu.memory_space<vmem>>[vector<16xi32>, vector<16xi32>], vector<16xf32>,
      %gather3A_222 = tpu.vector_load_idx %arg12[%add3A_189, %and3A_49] : memref<1024x16xf32, #tpu.memory_space<vmem>>[vector<16xi32>, vector<16xi32>], vector<16xf32>,
      %mul3A_223 = arith.mulf %gather3A_221, %gather3A_222 : vector<16xf32>
      %add3A_224 = arith.addf %add3A_220, %mul3A_223 : vector<16xf32>
      %gather3A_225 = tpu.vector_load_idx %arg11[%add3A_189, %and3A_55] : memref<1024x16xf32, #tpu.memory_space<vmem>>[vector<16xi32>, vector<16xi32>], vector<16xf32>,
      %gather3A_226 = tpu.vector_load_idx %arg12[%add3A_189, %and3A_55] : memref<1024x16xf32, #tpu.memory_space<vmem>>[vector<16xi32>, vector<16xi32>], vector<16xf32>,
      %mul3A_227 = arith.mulf %gather3A_225, %gather3A_226 : vector<16xf32>
      %add3A_228 = arith.addf %add3A_224, %mul3A_227 : vector<16xf32>
      %gather3A_229 = tpu.vector_load_idx %arg11[%add3A_189, %and3A_61] : memref<1024x16xf32, #tpu.memory_space<vmem>>[vector<16xi32>, vector<16xi32>], vector<16xf32>,
      %gather3A_230 = tpu.vector_load_idx %arg12[%add3A_189, %and3A_61] : memref<1024x16xf32, #tpu.memory_space<vmem>>[vector<16xi32>, vector<16xi32>], vector<16xf32>,
      %mul3A_231 = arith.mulf %gather3A_229, %gather3A_230 : vector<16xf32>
      %add3A_232 = arith.addf %add3A_228, %mul3A_231 : vector<16xf32>
      %gather3A_233 = tpu.vector_load_idx %arg11[%add3A_189, %and3A_67] : memref<1024x16xf32, #tpu.memory_space<vmem>>[vector<16xi32>, vector<16xi32>], vector<16xf32>,
      %gather3A_234 = tpu.vector_load_idx %arg12[%add3A_189, %and3A_67] : memref<1024x16xf32, #tpu.memory_space<vmem>>[vector<16xi32>, vector<16xi32>], vector<16xf32>,
      %mul3A_235 = arith.mulf %gather3A_233, %gather3A_234 : vector<16xf32>
      %add3A_236 = arith.addf %add3A_232, %mul3A_235 : vector<16xf32>
      %gather3A_237 = tpu.vector_load_idx %arg11[%add3A_189, %and3A_73] : memref<1024x16xf32, #tpu.memory_space<vmem>>[vector<16xi32>, vector<16xi32>], vector<16xf32>,
      %gather3A_238 = tpu.vector_load_idx %arg12[%add3A_189, %and3A_73] : memref<1024x16xf32, #tpu.memory_space<vmem>>[vector<16xi32>, vector<16xi32>], vector<16xf32>,
      %mul3A_239 = arith.mulf %gather3A_237, %gather3A_238 : vector<16xf32>
      %add3A_240 = arith.addf %add3A_236, %mul3A_239 : vector<16xf32>
      %gather3A_241 = tpu.vector_load_idx %arg11[%add3A_189, %and3A_79] : memref<1024x16xf32, #tpu.memory_space<vmem>>[vector<16xi32>, vector<16xi32>], vector<16xf32>,
      %gather3A_242 = tpu.vector_load_idx %arg12[%add3A_189, %and3A_79] : memref<1024x16xf32, #tpu.memory_space<vmem>>[vector<16xi32>, vector<16xi32>], vector<16xf32>,
      %mul3A_243 = arith.mulf %gather3A_241, %gather3A_242 : vector<16xf32>
      %add3A_244 = arith.addf %add3A_240, %mul3A_243 : vector<16xf32>
      %gather3A_245 = tpu.vector_load_idx %arg11[%add3A_189, %and3A_85] : memref<1024x16xf32, #tpu.memory_space<vmem>>[vector<16xi32>, vector<16xi32>], vector<16xf32>,
      %gather3A_246 = tpu.vector_load_idx %arg12[%add3A_189, %and3A_85] : memref<1024x16xf32, #tpu.memory_space<vmem>>[vector<16xi32>, vector<16xi32>], vector<16xf32>,
      %mul3A_247 = arith.mulf %gather3A_245, %gather3A_246 : vector<16xf32>
      %add3A_248 = arith.addf %add3A_244, %mul3A_247 : vector<16xf32>
      %gather3A_249 = tpu.vector_load_idx %arg11[%add3A_189, %and3A_91] : memref<1024x16xf32, #tpu.memory_space<vmem>>[vector<16xi32>, vector<16xi32>], vector<16xf32>,
      %gather3A_250 = tpu.vector_load_idx %arg12[%add3A_189, %and3A_91] : memref<1024x16xf32, #tpu.memory_space<vmem>>[vector<16xi32>, vector<16xi32>], vector<16xf32>,
      %mul3A_251 = arith.mulf %gather3A_249, %gather3A_250 : vector<16xf32>
      %add3A_252 = arith.addf %add3A_248, %mul3A_251 : vector<16xf32>
      %gather3A_253 = tpu.vector_load_idx %arg11[%add3A_189, %and3A_97] : memref<1024x16xf32, #tpu.memory_space<vmem>>[vector<16xi32>, vector<16xi32>], vector<16xf32>,
      %gather3A_254 = tpu.vector_load_idx %arg12[%add3A_189, %and3A_97] : memref<1024x16xf32, #tpu.memory_space<vmem>>[vector<16xi32>, vector<16xi32>], vector<16xf32>,
      %mul3A_255 = arith.mulf %gather3A_253, %gather3A_254 : vector<16xf32>
      %add3A_256 = arith.addf %add3A_252, %mul3A_255 : vector<16xf32>
      %swap3A = arith.index_cast %mul3A_187 : i32 to index
      %swap3A_257 = tpu.vector_load %arg15[%swap3A] {strides = array<i32>} : memref<1024xf32, #tpu.memory_space<vmem>>, vector<16xf32>,
      tpu.vector_store %arg15[%swap3A], %add3A_256 {strides = array<i32>} : memref<1024xf32, #tpu.memory_space<vmem>>, vector<16xf32>,
      %scan3A_258 = arith.constant 0 : i32
      scf.yield %scan3A_258 : i32
    }
    %scan3A_164 = arith.constant 64 : i32
    "tpu.region"() ({
      %run_scoped3A = tpu.sem_alloc : memref<!tpu.dma_semaphore, #tpu.memory_space<semaphore_mem>>
      %dma_start3A_184 = tpu.memref_slice %arg8[%add3A_157] : memref<327680xf32, #tpu.memory_space<hbm>> -> memref<1024xf32, #tpu.memory_space<hbm>>
      %dma_start3A_185 = tpu.memref_slice %arg8[%add3A_157] : memref<327680xf32, #tpu.memory_space<hbm>> -> memref<1024xf32, #tpu.memory_space<hbm>>
      tpu.enqueue_dma source(%arg15 : memref<1024xf32, #tpu.memory_space<vmem>>) target(%dma_start3A_185 : memref<1024xf32, #tpu.memory_space<hbm>>) target_semaphore(%run_scoped3A : memref<!tpu.dma_semaphore, #tpu.memory_space<semaphore_mem>>)
      %dma_wait3A_186 = tpu.memref_slice %arg8[%add3A_157] : memref<327680xf32, #tpu.memory_space<hbm>> -> memref<1024xf32, #tpu.memory_space<hbm>>
      %dma_wait3A_187 = tpu.memref_slice %arg8[%add3A_157] : memref<327680xf32, #tpu.memory_space<hbm>> -> memref<1024xf32, #tpu.memory_space<hbm>>
      tpu.wait_dma2 semaphore(%run_scoped3A : memref<!tpu.dma_semaphore, #tpu.memory_space<semaphore_mem>>) src(%arg15 : memref<1024xf32, #tpu.memory_space<vmem>>) dst(%dma_wait3A_187 : memref<1024xf32, #tpu.memory_space<hbm>>)
      tpu.yield
    }) : () -> ()
    %dma_wait3A_165 = arith.constant 0 : i32
    %dma_wait3A_166 = arith.constant 0 : i32
    %dma_wait3A_167 = tpu.memref_slice %arg4[%dma_wait3A_165, %dma_wait3A_166] : memref<1000000x16xf32, #tpu.memory_space<hbm>> -> memref<1000000x16xf32, #tpu.memory_space<hbm>>
    tpu.wait_indirect_dma semaphore(%arg29 : memref<!tpu.dma_semaphore, #tpu.memory_space<semaphore_mem>>) src(%dma_wait3A_167 : memref<1000000x16xf32, #tpu.memory_space<hbm>>) dst(%arg23 : memref<1024x16xf32, #tpu.memory_space<vmem>>)
    %dma_wait3A_168 = arith.constant 0 : i32
    %dma_wait3A_169 = arith.constant 0 : i32
    %dma_wait3A_170 = tpu.memref_slice %arg5[%dma_wait3A_168, %dma_wait3A_169] : memref<100000x16xf32, #tpu.memory_space<hbm>> -> memref<100000x16xf32, #tpu.memory_space<hbm>>
    tpu.wait_indirect_dma semaphore(%arg30 : memref<!tpu.dma_semaphore, #tpu.memory_space<semaphore_mem>>) src(%dma_wait3A_170 : memref<100000x16xf32, #tpu.memory_space<hbm>>) dst(%arg24 : memref<1024x16xf32, #tpu.memory_space<vmem>>)
    %dma_wait3A_171 = arith.constant 0 : i32
    %dma_wait3A_172 = tpu.memref_slice %arg6[%dma_wait3A_171] : memref<1000000xf32, #tpu.memory_space<hbm>> -> memref<1000000xf32, #tpu.memory_space<hbm>>
    tpu.wait_indirect_dma semaphore(%arg31 : memref<!tpu.dma_semaphore, #tpu.memory_space<semaphore_mem>>) src(%dma_wait3A_172 : memref<1000000xf32, #tpu.memory_space<hbm>>) dst(%arg25 : memref<1024xf32, #tpu.memory_space<vmem>>)
    %dma_wait3A_173 = arith.constant 0 : i32
    %dma_wait3A_174 = tpu.memref_slice %arg7[%dma_wait3A_173] : memref<100000xf32, #tpu.memory_space<hbm>> -> memref<100000xf32, #tpu.memory_space<hbm>>
    tpu.wait_indirect_dma semaphore(%arg32 : memref<!tpu.dma_semaphore, #tpu.memory_space<semaphore_mem>>) src(%dma_wait3A_174 : memref<100000xf32, #tpu.memory_space<hbm>>) dst(%arg26 : memref<1024xf32, #tpu.memory_space<vmem>>)
    %add3A_175 = arith.constant 9216 : i32
    %add3A_176 = arith.addi %mul3A_2, %add3A_175 : i32
    %scan3A_177 = arith.constant 0 : i32
    %scan3A_178 = arith.constant 0 : i32
    %scan3A_179 = arith.constant 64 : i32
    %scan3A_180 = arith.addi %scan3A_178, %scan3A_179 : i32
    %scan3A_181 = arith.constant 1 : i32
    %scan3A_182 = scf.for %scan3A_184 = %scan3A_178 to %scan3A_180 step %scan3A_181 iter_args(%scan3A_185 = %scan3A_177) -> (i32)  : i32 {
      %mul3A_186 = arith.constant 16 : i32
      %mul3A_187 = arith.muli %scan3A_184, %mul3A_186 : i32
      %add3A_188 = vector.broadcast %mul3A_187 : i32 to vector<16xi32>
      %add3A_189 = arith.addi %add3A_188, %iota3A : vector<16xi32>
      %get3A = arith.index_cast %mul3A_187 : i32 to index
      %get3A_190 = tpu.vector_load %arg25[%get3A] {strides = array<i32>} : memref<1024xf32, #tpu.memory_space<vmem>>, vector<16xf32>,
      %get3A_191 = arith.index_cast %mul3A_187 : i32 to index
      %get3A_192 = tpu.vector_load %arg26[%get3A_191] {strides = array<i32>} : memref<1024xf32, #tpu.memory_space<vmem>>, vector<16xf32>,
      %add3A_193 = arith.addf %get3A_190, %get3A_192 : vector<16xf32>
      %gather3A = tpu.vector_load_idx %arg23[%add3A_189, %and3A_7] : memref<1024x16xf32, #tpu.memory_space<vmem>>[vector<16xi32>, vector<16xi32>], vector<16xf32>,
      %gather3A_194 = tpu.vector_load_idx %arg24[%add3A_189, %and3A_7] : memref<1024x16xf32, #tpu.memory_space<vmem>>[vector<16xi32>, vector<16xi32>], vector<16xf32>,
      %mul3A_195 = arith.mulf %gather3A, %gather3A_194 : vector<16xf32>
      %add3A_196 = arith.addf %add3A_193, %mul3A_195 : vector<16xf32>
      %gather3A_197 = tpu.vector_load_idx %arg23[%add3A_189, %and3A_13] : memref<1024x16xf32, #tpu.memory_space<vmem>>[vector<16xi32>, vector<16xi32>], vector<16xf32>,
      %gather3A_198 = tpu.vector_load_idx %arg24[%add3A_189, %and3A_13] : memref<1024x16xf32, #tpu.memory_space<vmem>>[vector<16xi32>, vector<16xi32>], vector<16xf32>,
      %mul3A_199 = arith.mulf %gather3A_197, %gather3A_198 : vector<16xf32>
      %add3A_200 = arith.addf %add3A_196, %mul3A_199 : vector<16xf32>
      %gather3A_201 = tpu.vector_load_idx %arg23[%add3A_189, %and3A_19] : memref<1024x16xf32, #tpu.memory_space<vmem>>[vector<16xi32>, vector<16xi32>], vector<16xf32>,
      %gather3A_202 = tpu.vector_load_idx %arg24[%add3A_189, %and3A_19] : memref<1024x16xf32, #tpu.memory_space<vmem>>[vector<16xi32>, vector<16xi32>], vector<16xf32>,
      %mul3A_203 = arith.mulf %gather3A_201, %gather3A_202 : vector<16xf32>
      %add3A_204 = arith.addf %add3A_200, %mul3A_203 : vector<16xf32>
      %gather3A_205 = tpu.vector_load_idx %arg23[%add3A_189, %and3A_25] : memref<1024x16xf32, #tpu.memory_space<vmem>>[vector<16xi32>, vector<16xi32>], vector<16xf32>,
      %gather3A_206 = tpu.vector_load_idx %arg24[%add3A_189, %and3A_25] : memref<1024x16xf32, #tpu.memory_space<vmem>>[vector<16xi32>, vector<16xi32>], vector<16xf32>,
      %mul3A_207 = arith.mulf %gather3A_205, %gather3A_206 : vector<16xf32>
      %add3A_208 = arith.addf %add3A_204, %mul3A_207 : vector<16xf32>
      %gather3A_209 = tpu.vector_load_idx %arg23[%add3A_189, %and3A_31] : memref<1024x16xf32, #tpu.memory_space<vmem>>[vector<16xi32>, vector<16xi32>], vector<16xf32>,
      %gather3A_210 = tpu.vector_load_idx %arg24[%add3A_189, %and3A_31] : memref<1024x16xf32, #tpu.memory_space<vmem>>[vector<16xi32>, vector<16xi32>], vector<16xf32>,
      %mul3A_211 = arith.mulf %gather3A_209, %gather3A_210 : vector<16xf32>
      %add3A_212 = arith.addf %add3A_208, %mul3A_211 : vector<16xf32>
      %gather3A_213 = tpu.vector_load_idx %arg23[%add3A_189, %and3A_37] : memref<1024x16xf32, #tpu.memory_space<vmem>>[vector<16xi32>, vector<16xi32>], vector<16xf32>,
      %gather3A_214 = tpu.vector_load_idx %arg24[%add3A_189, %and3A_37] : memref<1024x16xf32, #tpu.memory_space<vmem>>[vector<16xi32>, vector<16xi32>], vector<16xf32>,
      %mul3A_215 = arith.mulf %gather3A_213, %gather3A_214 : vector<16xf32>
      %add3A_216 = arith.addf %add3A_212, %mul3A_215 : vector<16xf32>
      %gather3A_217 = tpu.vector_load_idx %arg23[%add3A_189, %and3A_43] : memref<1024x16xf32, #tpu.memory_space<vmem>>[vector<16xi32>, vector<16xi32>], vector<16xf32>,
      %gather3A_218 = tpu.vector_load_idx %arg24[%add3A_189, %and3A_43] : memref<1024x16xf32, #tpu.memory_space<vmem>>[vector<16xi32>, vector<16xi32>], vector<16xf32>,
      %mul3A_219 = arith.mulf %gather3A_217, %gather3A_218 : vector<16xf32>
      %add3A_220 = arith.addf %add3A_216, %mul3A_219 : vector<16xf32>
      %gather3A_221 = tpu.vector_load_idx %arg23[%add3A_189, %and3A_49] : memref<1024x16xf32, #tpu.memory_space<vmem>>[vector<16xi32>, vector<16xi32>], vector<16xf32>,
      %gather3A_222 = tpu.vector_load_idx %arg24[%add3A_189, %and3A_49] : memref<1024x16xf32, #tpu.memory_space<vmem>>[vector<16xi32>, vector<16xi32>], vector<16xf32>,
      %mul3A_223 = arith.mulf %gather3A_221, %gather3A_222 : vector<16xf32>
      %add3A_224 = arith.addf %add3A_220, %mul3A_223 : vector<16xf32>
      %gather3A_225 = tpu.vector_load_idx %arg23[%add3A_189, %and3A_55] : memref<1024x16xf32, #tpu.memory_space<vmem>>[vector<16xi32>, vector<16xi32>], vector<16xf32>,
      %gather3A_226 = tpu.vector_load_idx %arg24[%add3A_189, %and3A_55] : memref<1024x16xf32, #tpu.memory_space<vmem>>[vector<16xi32>, vector<16xi32>], vector<16xf32>,
      %mul3A_227 = arith.mulf %gather3A_225, %gather3A_226 : vector<16xf32>
      %add3A_228 = arith.addf %add3A_224, %mul3A_227 : vector<16xf32>
      %gather3A_229 = tpu.vector_load_idx %arg23[%add3A_189, %and3A_61] : memref<1024x16xf32, #tpu.memory_space<vmem>>[vector<16xi32>, vector<16xi32>], vector<16xf32>,
      %gather3A_230 = tpu.vector_load_idx %arg24[%add3A_189, %and3A_61] : memref<1024x16xf32, #tpu.memory_space<vmem>>[vector<16xi32>, vector<16xi32>], vector<16xf32>,
      %mul3A_231 = arith.mulf %gather3A_229, %gather3A_230 : vector<16xf32>
      %add3A_232 = arith.addf %add3A_228, %mul3A_231 : vector<16xf32>
      %gather3A_233 = tpu.vector_load_idx %arg23[%add3A_189, %and3A_67] : memref<1024x16xf32, #tpu.memory_space<vmem>>[vector<16xi32>, vector<16xi32>], vector<16xf32>,
      %gather3A_234 = tpu.vector_load_idx %arg24[%add3A_189, %and3A_67] : memref<1024x16xf32, #tpu.memory_space<vmem>>[vector<16xi32>, vector<16xi32>], vector<16xf32>,
      %mul3A_235 = arith.mulf %gather3A_233, %gather3A_234 : vector<16xf32>
      %add3A_236 = arith.addf %add3A_232, %mul3A_235 : vector<16xf32>
      %gather3A_237 = tpu.vector_load_idx %arg23[%add3A_189, %and3A_73] : memref<1024x16xf32, #tpu.memory_space<vmem>>[vector<16xi32>, vector<16xi32>], vector<16xf32>,
      %gather3A_238 = tpu.vector_load_idx %arg24[%add3A_189, %and3A_73] : memref<1024x16xf32, #tpu.memory_space<vmem>>[vector<16xi32>, vector<16xi32>], vector<16xf32>,
      %mul3A_239 = arith.mulf %gather3A_237, %gather3A_238 : vector<16xf32>
      %add3A_240 = arith.addf %add3A_236, %mul3A_239 : vector<16xf32>
      %gather3A_241 = tpu.vector_load_idx %arg23[%add3A_189, %and3A_79] : memref<1024x16xf32, #tpu.memory_space<vmem>>[vector<16xi32>, vector<16xi32>], vector<16xf32>,
      %gather3A_242 = tpu.vector_load_idx %arg24[%add3A_189, %and3A_79] : memref<1024x16xf32, #tpu.memory_space<vmem>>[vector<16xi32>, vector<16xi32>], vector<16xf32>,
      %mul3A_243 = arith.mulf %gather3A_241, %gather3A_242 : vector<16xf32>
      %add3A_244 = arith.addf %add3A_240, %mul3A_243 : vector<16xf32>
      %gather3A_245 = tpu.vector_load_idx %arg23[%add3A_189, %and3A_85] : memref<1024x16xf32, #tpu.memory_space<vmem>>[vector<16xi32>, vector<16xi32>], vector<16xf32>,
      %gather3A_246 = tpu.vector_load_idx %arg24[%add3A_189, %and3A_85] : memref<1024x16xf32, #tpu.memory_space<vmem>>[vector<16xi32>, vector<16xi32>], vector<16xf32>,
      %mul3A_247 = arith.mulf %gather3A_245, %gather3A_246 : vector<16xf32>
      %add3A_248 = arith.addf %add3A_244, %mul3A_247 : vector<16xf32>
      %gather3A_249 = tpu.vector_load_idx %arg23[%add3A_189, %and3A_91] : memref<1024x16xf32, #tpu.memory_space<vmem>>[vector<16xi32>, vector<16xi32>], vector<16xf32>,
      %gather3A_250 = tpu.vector_load_idx %arg24[%add3A_189, %and3A_91] : memref<1024x16xf32, #tpu.memory_space<vmem>>[vector<16xi32>, vector<16xi32>], vector<16xf32>,
      %mul3A_251 = arith.mulf %gather3A_249, %gather3A_250 : vector<16xf32>
      %add3A_252 = arith.addf %add3A_248, %mul3A_251 : vector<16xf32>
      %gather3A_253 = tpu.vector_load_idx %arg23[%add3A_189, %and3A_97] : memref<1024x16xf32, #tpu.memory_space<vmem>>[vector<16xi32>, vector<16xi32>], vector<16xf32>,
      %gather3A_254 = tpu.vector_load_idx %arg24[%add3A_189, %and3A_97] : memref<1024x16xf32, #tpu.memory_space<vmem>>[vector<16xi32>, vector<16xi32>], vector<16xf32>,
      %mul3A_255 = arith.mulf %gather3A_253, %gather3A_254 : vector<16xf32>
      %add3A_256 = arith.addf %add3A_252, %mul3A_255 : vector<16xf32>
      %swap3A = arith.index_cast %mul3A_187 : i32 to index
      %swap3A_257 = tpu.vector_load %arg27[%swap3A] {strides = array<i32>} : memref<1024xf32, #tpu.memory_space<vmem>>, vector<16xf32>,
      tpu.vector_store %arg27[%swap3A], %add3A_256 {strides = array<i32>} : memref<1024xf32, #tpu.memory_space<vmem>>, vector<16xf32>,
      %scan3A_258 = arith.constant 0 : i32
      scf.yield %scan3A_258 : i32
    }
    %scan3A_183 = arith.constant 64 : i32
    "tpu.region"() ({
      %run_scoped3A = tpu.sem_alloc : memref<!tpu.dma_semaphore, #tpu.memory_space<semaphore_mem>>
      %dma_start3A_184 = tpu.memref_slice %arg8[%add3A_176] : memref<327680xf32, #tpu.memory_space<hbm>> -> memref<1024xf32, #tpu.memory_space<hbm>>
      %dma_start3A_185 = tpu.memref_slice %arg8[%add3A_176] : memref<327680xf32, #tpu.memory_space<hbm>> -> memref<1024xf32, #tpu.memory_space<hbm>>
      tpu.enqueue_dma source(%arg27 : memref<1024xf32, #tpu.memory_space<vmem>>) target(%dma_start3A_185 : memref<1024xf32, #tpu.memory_space<hbm>>) target_semaphore(%run_scoped3A : memref<!tpu.dma_semaphore, #tpu.memory_space<semaphore_mem>>)
      %dma_wait3A_186 = tpu.memref_slice %arg8[%add3A_176] : memref<327680xf32, #tpu.memory_space<hbm>> -> memref<1024xf32, #tpu.memory_space<hbm>>
      %dma_wait3A_187 = tpu.memref_slice %arg8[%add3A_176] : memref<327680xf32, #tpu.memory_space<hbm>> -> memref<1024xf32, #tpu.memory_space<hbm>>
      tpu.wait_dma2 semaphore(%run_scoped3A : memref<!tpu.dma_semaphore, #tpu.memory_space<semaphore_mem>>) src(%arg27 : memref<1024xf32, #tpu.memory_space<vmem>>) dst(%dma_wait3A_187 : memref<1024xf32, #tpu.memory_space<hbm>>)
      tpu.yield
    }) : () -> ()
    return
  }
}

</mosaic_0001>

<sc_bundles>
// kernel: kernel.3.cloned.1.call-start
scs
__scs_entry_jumppad:
0x0: {  	(pc) =	sbr.rel $0x88, $3  }
0x1: {  	(tag) =	ssettag $0x0;
	lr =	simm.s32 $0x1  }
0x2: {  	[smem:$0x3F9B] =	sst lr;
	_ =	strace $0xD0000000  }
0x3: {  	_ = 	snop  }
0x4: {  	_ = 	snop  }
0x5: {  	_ = 	snop  }
0x6: {  	_ = 	snop  }
0x7: {  	_ = 	snop  }
__scs_overlays_trampoline_lowered:
0x8: {  	[smem:$0x3FAA] =	sst s0  }
0x9: {  	[smem:$0x3FAB] =	sst s1  }
0xa: {  	[smem:$0x3FAC] =	sst s2  }
0xb: {  	[smem:$0x3FAD] =	sst s3  }
0xc: {  	[smem:$0x3FAE] =	sst s4  }
0xd: {  	[smem:$0x3FAF] =	sst s5  }
0xe: {  	[smem:$0x3FB0] =	sst s6  }
0xf: {  	[smem:$0x3FB1] =	sst s7  }
0x10: {  	[smem:$0x3FB2] =	sst s8  }
0x11: {  	[smem:$0x3FB3] =	sst s9;
	s0 =	simm.s32 @!p0 $0x0  }
0x12: {  	s1 =	sld [smem:$0x3F99];
	s0 =	simm.s32 @p0 $0x1  }
0x13: {  	[smem:$0x3FB4] =	sst s0;
	s0 =	simm.s32 @!p1 $0x0  }
0x14: {  	s2 =	sld [smem:$0x3F98];
	s0 =	simm.s32 @p1 $0x1  }
0x15: {  	[smem:$0x3FB5] =	sst s0;
	s0 =	simm.s32 @!p2 $0x0  }
0x16: {  	s3 =	sld [smem:$0x3FDB];
	s0 =	simm.s32 @p2 $0x1  }
0x17: {  	s4 =	simm.s32 $0x1BF5;
	[smem:$0x3FB7] =	sst s0  }
0x18: {  	s0 =	sld [smem:$0x3F9A];
	_ =	swait.ge [sflag:s4], $0x0  }
0x19: {  	s7 =	sld [smem:$0x3F9B]  }
0x1a: {  	s8 =	sadd.s32 $0xFFFFE003, lr  }
0x1b: {  	s9 =	sadd.s32 $0xFFFFFEF7, lr;
	s5 =	simm.s32 $0xFFFFFFFF;
	p2 =	slt.u32 s8, $0xFFFFF086  }
0x1c: {  	p1 =	slt.u32 s9, $0xF7A;
	s5 =	simm.s32 @!p2 $0x0  }
0x1d: {  	s5 =	simm.s32 @p1 $0x1;
	p0 =	seq.s32 s7, s2  }
0x1e: {  	s7 =	smul.u32 @!p0 $0xF7A, s2;
	p2 =	seq.s32 @!p0 s5, $0x0  }
0x1f: {  	s9 =	smul.u32 $0xF7A, s1;
	s8 =	simm.s32 @!p0 $0x1BF5;
	p2 =	por !p2, p0  }
0x20: {  	[sflag:s8] =	ssyncset.s32 @!p0 $0xFFFFF086;
	s6 =	sadd.s32 @!p0 s3, s7;
	s7 =	simm.s32 @!p0 $0x108  }
0x21: {  	s3 =	sadd.s32 s3, s9;
	s6 =	sadd.s32 @!p0 $0x88, s6;
	s7 =	simm.s32 @p2 $0x1082  }
0x22: {  	[simem:s7], [sflag:s8] =	dma.local @!p0 [hbm:s6], $0xF7A  }
0x23: {  	s9 =	sor.u32 $0xD0000000, s2;
	s6 =	simm.s32 $0x108;
	_ =	swait.ge @!p0 [sflag:s8], $0x0  }
0x24: {  	s3 =	sadd.s32 $0x88, s3;
	s6 =	simm.s32 @!p1 $0x1082;
	[sflag:s4] =	ssyncset.s32 $0xFFFFF086  }
0x25: {  	[simem:s6], [sflag:s4] =	dma.local [hbm:s3], $0xF7A  }
0x26: {  	[smem:$0x3F9B] =	sst s1;
	(tag) =	ssettag s2;
	_ =	strace s9  }
0x27: {  	s1 =	sld [smem:$0x3FAB]  }
0x28: {  	s2 =	sld [smem:$0x3FAC]  }
0x29: {  	s4 =	sld [smem:$0x3FAE]  }
0x2a: {  	p0 =	seq.s32 s5, $0x0;
	s5 =	sld [smem:$0x3FAF]  }
0x2b: {  	s6 =	sld [smem:$0x3FB0]  }
0x2c: {  	s7 =	sld [smem:$0x3FB1]  }
0x2d: {  	s3 =	simm.s32 $0x108;
	s8 =	sld [smem:$0x3FB2]  }
0x2e: {  	s3 =	simm.s32 @!p0 $0x1082;
	s9 =	sld [smem:$0x3FB3]  }
0x2f: {  	lr =	sadd.s32 s0, s3;
	s0 =	sld [smem:$0x3FAA]  }
0x30: {  	s3 =	sld [smem:$0x3FAD]  }
0x31: {  	[smem:$0x3FB6] =	sst s10  }
0x32: {  	s10 =	sld [smem:$0x3FB4];
	_ =	sdelay $0x3  }
0x33: {  	p0 =	seq.s32 s10, $0x1;
	s10 =	sld [smem:$0x3FB6];
	_ =	sdelay $0x3  }
0x34: {  	[smem:$0x3FB6] =	sst s10  }
0x35: {  	s10 =	sld [smem:$0x3FB5];
	_ =	sdelay $0x3  }
0x36: {  	p1 =	seq.s32 s10, $0x1;
	s10 =	sld [smem:$0x3FB6];
	_ =	sdelay $0x3  }
0x37: {  	[smem:$0x3FB6] =	sst s10  }
0x38: {  	s10 =	sld [smem:$0x3FB7]  }
0x39: {  	_ = 	snop;
	(pc) =	sbr.ind lr, $3  }
0x3a: {  	_ = 	snop  }
0x3b: {  	_ = 	snop  }
0x3c: {  	p2 =	seq.s32 s10, $0x1;
	s10 =	sld [smem:$0x3FB6]  }
0x3d: {  	_ =	shalt  }
0x3e: {  	_ =	shalt  }
0x3f: {  	_ =	shalt  }
0x40: {  	_ =	shalt  }
0x41: {  	_ =	shalt  }
0x42: {  	_ =	shalt  }
0x43: {  	_ =	shalt  }
0x44: {  	_ =	shalt  }
0x45: {  	_ =	shalt  }
0x46: {  	_ =	shalt  }
0x47: {  	_ =	shalt  }
0x48: {  	_ =	shalt  }
0x49: {  	_ =	shalt  }
0x4a: {  	_ =	shalt  }
0x4b: {  	_ =	shalt  }
0x4c: {  	_ =	shalt  }
0x4d: {  	_ =	shalt  }
0x4e: {  	_ =	shalt  }
0x4f: {  	_ =	shalt  }
0x50: {  	_ =	shalt  }
0x51: {  	_ =	shalt  }
0x52: {  	_ =	shalt  }
0x53: {  	_ =	shalt  }
0x54: {  	_ =	shalt  }
0x55: {  	_ =	shalt  }
0x56: {  	_ =	shalt  }
0x57: {  	_ =	shalt  }
0x58: {  	_ =	shalt  }
0x59: {  	_ =	shalt  }
0x5a: {  	_ =	shalt  }
0x5b: {  	_ =	shalt  }
0x5c: {  	_ =	shalt  }
0x5d: {  	_ =	shalt  }
0x5e: {  	_ =	shalt  }
0x5f: {  	_ =	shalt  }
0x60: {  	_ =	shalt  }
0x61: {  	_ =	shalt  }
0x62: {  	_ =	shalt  }
0x63: {  	_ =	shalt  }
0x64: {  	_ =	shalt  }
0x65: {  	_ =	shalt  }
0x66: {  	_ =	shalt  }
0x67: {  	_ =	shalt  }
0x68: {  	_ =	shalt  }
0x69: {  	_ =	shalt  }
0x6a: {  	_ =	shalt  }
0x6b: {  	_ =	shalt  }
0x6c: {  	_ =	shalt  }
0x6d: {  	_ =	shalt  }
0x6e: {  	_ =	shalt  }
0x6f: {  	_ =	shalt  }
0x70: {  	_ =	shalt  }
0x71: {  	_ =	shalt  }
0x72: {  	_ =	shalt  }
0x73: {  	_ =	shalt  }
0x74: {  	_ =	shalt  }
0x75: {  	_ =	shalt  }
0x76: {  	_ =	shalt  }
0x77: {  	_ =	shalt  }
0x78: {  	_ =	shalt  }
0x79: {  	_ =	shalt  }
0x7a: {  	_ =	shalt  }
0x7b: {  	_ =	shalt  }
0x7c: {  	_ =	shalt  }
0x7d: {  	_ =	shalt  }
0x7e: {  	_ =	shalt  }
0x7f: {  	_ =	shalt  }
0x80: {  	_ =	shalt  }
0x81: {  	_ =	shalt  }
0x82: {  	_ =	shalt  }
0x83: {  	_ =	shalt  }
0x84: {  	_ =	shalt  }
0x85: {  	_ =	shalt  }
0x86: {  	_ =	shalt  }
0x87: {  	_ =	shalt  }
.Lfunc_end0:
.L_simem_size_0:
called_computation_lowered:
.L_overlay_start_0:
0x88: {  	s2 =	sld [smem:$0x3FD9]  }
0x89: {  	s3 =	sld [smem:$0x3FFE];
	_ =	sdelay $0x1  }
0x8a: {  	s1 =	srdreg.scid  }
0x8b: {  	s0 =	sand.u32 $0x1, s1  }
0x8c: {  	s17 =	sshll.u32 s0, $0xA;
	s2 =	sadd.s32 s3, s2  }
0x8d: {  	s2 =	sadd.s32 s2, s17  }
0x8e: {  	[smem:$0x3FC2] =	sst s2  }
0x8f: {  	_ = 	snop  }
0x90: {  	s2 =	sld [smem:$0x3FD0];
	(tm) =	ssettm $0x1  }
0x91: {  	s18 =	sld [smem:$0x3FFB];
	_ =	sdelay $0x3  }
0x92: {  	_ =	strace s18  }
0x93: {  	s3 =	sld [smem:$0x3FFC];
	_ =	sdelay $0x3  }
0x94: {  	_ =	strace s3  }
0x95: {  	s3 =	sld [smem:$0x3FFD];
	_ =	sdelay $0x3  }
0x96: {  	_ =	strace s3  }
0x97: {  	_ =	strace $0x8FFFFFFF  }
0x98: {  	s19 =	sld [smem:$0x3FDB];
	_ =	sdelay $0x1  }
0x99: {  	s4 =	simm.s32 $_scs_section_size  }
0x9a: {  	s5 =	simm.s32 $_size__tile_overlayer_lowered;
	s6 =	simm.s32 $_tile_overlayer_lowered  }
0x9b: {  	s22 =	simm.s32 $0x1BFF;
	s21 =	sshll.u32 s6, $0x1;
	s3 =	sadd.s32 s4, s19  }
0x9c: {  	s7 =	simm.s32 $0x0;
	s20 =	sshll.u32 s5, $0x1;
	s5 =	sadd.s32 s21, s3  }
0x9d: {  	[timem:s7], [sflag:s22] =	dma.local [hbm:s5], s20  }
0x9e: {  	_ =	swait.ge [sflag:s22], s20  }
0x9f: {  	s4 =	ssub.s32 $0x0, s20;
	[sflag:s22] =	ssyncset.done $0x0  }
0xa0: {  	[sflag:s22] =	ssyncadd.s32 s4;
	_ =	sdelay $0x1  }
0xa1: {  	s23 =	simm.s32 $0x1B8B  }
0xa2: {  	_ =	swait.ge [sflag:s23], $0x1  }
0xa3: {  	[sflag:s23] =	ssyncset.done $0x0  }
0xa4: {  	s25 =	simm.s32 $0x1B8E;
	s24 =	sld [smem:$0x3FFE];
	[sflag:s23] =	ssyncadd.s32 $0xFFFFFFFF  }
0xa5: {  	s26 =	simm.s32 $execute0_lowered;
	[smem:$0x3FD2] =	sst s25  }
0xa6: {  	s5 =	sshll.u32 s26, $0x1;
	_ =	strace $0x80000046;
	[dreg:$0x1] =	wrdreg $0xFFFFFFFF  }
0xa7: {  	s28 =	simm.s32 $_size_execute0_lowered;
	s3 =	sadd.s32 s3, s5;
	[dreg:$0x0] =	wrdreg $0x0  }
0xa8: {  	s5 =	sshll.u32 s28, $0x1;
	[dreg:$0x2] =	wrdreg s3  }
0xa9: {  	[dreg:$0x3] =	wrdreg s5  }
0xaa: {  	[dreg:$0x4] =	wrdreg $0xC0  }
0xab: {  	_ =	task [dreg:s7], $0x5FFFF  }
0xac: {  	[dreg:$0x1] =	wrdreg $0xFFFFFFFF  }
0xad: {  	[dreg:$0x0] =	wrdreg $0x60  }
0xae: {  	[dreg:$0x2] =	wrdreg s2  }
0xaf: {  	[dreg:$0x3] =	wrdreg s24  }
0xb0: {  	[dreg:$0x4] =	wrdreg $0x9  }
0xb1: {  	_ =	task.clear_ibuf [dreg:s7], $0x5FFFF;
	_ =	strace $0x90000046  }
0xb2: {  	s29 =	simm.s32 $0x9;
	_ =	strace $0x80000048  }
0xb3: {  	_ =	swait.ge [sflag:s29], $0x1  }
0xb4: {  	[sflag:s29] =	ssyncadd.s32 $0xFFFFFFFF  }
0xb5: {  	_ =	strace $0x90000048  }
0xb6: {  	_ =	sfence  }
0xb7: {  	s30 =	sld [smem:$0x0];
	_ =	sdelay $0x2  }
0xb8: {  	s31 =	sshll.u32 s1, $0xD;
	s1 =	sshrl.u32 s1, $0x2  }
0xb9: {  	s3 =	sand.u32 $0x4000, s31;
	s1 =	sadd.s32 s1, s30  }
0xba: {  	s0 =	sor.u32 s3, s0;
	s1 =	sshll.u32 s1, $0x11  }
0xbb: {  	s0 =	sor.u32 s1, s0  }
0xbc: {  	s0 =	sadd.s32 $0x8F2B, s0  }
0xbd: {  	[sflag:s0] =	ssyncadd.remote.s32 $0x1  }
0xbe: {  	_ =	sfence.sel $0xFFFF  }
0xbf: {  	[dreg:$0x0] =	wrdreg $0xFFFFFFFF;
	(pc) =	sbr.abs _section_cstart, $3  }
0xc0: {  	[dreg:$0x1] =	wrdreg $0xFFFFFFFF  }
0xc1: {  	_ =	task.clear_ibuf [dreg:s7], $0x2FFFF;
	_ =	strace $0x9FFFFFFF  }
0xc2: {  	(tm) =	ssettm $0x7FFFFFFF  }
0xc3: {  	_ =	shalt  }
tec
execute0_lowered:
.L_overlay_start_1:
0x0: {  	(tag) =	ssettag $0x1  }
0x1: {  	v1 =	vimm.s32 $0xFEDCBA9;
	v0 =	vlaneseq.u32  }
0x2: {  	v3 =	vimm.s32 $0x87654321;
	v4 =	vimm.s32 $0x98765432;
	v5 =	vimm.s32 $0x210FEDCB  }
0x3: {  	v6 =	vimm.s32 $0xA9876543;
	v16 =	vimm.s32 $0xCBA98765;
	v18 =	vimm.s32 $0x6543210F  }
0x4: {  	v19 =	vimm.s32 $0xEDCBA987;
	v20 =	vimm.s32 $0xFEDCBA98;
	v21 =	vimm.s32 $0x76543210  }
0x5: {  	v2 =	vunpack.c.l.s4.s8 v1;
	v1 =	vmul.u32 $0x10, v0;
	v4 =	vunpack.c.l.s4.s8 v4  }
0x6: {  	s6 =	rddreg [dreg:$0x0];
	v5 =	vunpack.c.l.s4.s8 v5;
	v18 =	vunpack.c.l.s4.s8 v18;
	v19 =	vunpack.c.l.s4.s8 v19  }
0x7: {  	s0 =	rddreg [dreg:$0x1];
	s16 =	simm.s32 $0x0;
	v20 =	vunpack.c.l.s4.s8 v20;
	v8 =	vunpack.c.0.s8.s32 v2;
	v2 =	vunpack.c.l.s4.s8 v3  }
0x8: {  	s1 =	srdreg.scid;
	s2 =	stileid.u32;
	s28 =	simm.s32 $0x9400;
	v3 =	vimm.s32 $0x10FEDCBA;
	v11 =	vunpack.c.0.s8.s32 v4;
	v12 =	vunpack.c.0.s8.s32 v5  }
0x9: {  	s29 =	simm.s32 $0x9800;
	s30 =	simm.s32 $0x6;
	s31 =	simm.s32 $0x9C00;
	v18 =	vunpack.c.0.s8.s32 v18;
	v19 =	vunpack.c.0.s8.s32 v19;
	v3 =	vunpack.c.l.s4.s8 v3  }
0xa: {  	s12 =	simm.s32 $0x2;
	s13 =	simm.s32 $0x3;
	[smem:$0x7FF] =	sst s16;
	v20 =	vunpack.c.0.s8.s32 v20;
	v9 =	vunpack.c.0.s8.s32 v2;
	v2 =	vunpack.c.l.s4.s8 v6  }
0xb: {  	s1 =	sand.u32 $0x1, s1;
	s2 =	sshll.u32 s2, $0x1;
	s5 =	sadd.s32 $0xF42600, s0;
	v24 =	vcombine.low v19, v18;
	v10 =	vunpack.c.0.s8.s32 v3;
	v3 =	vimm.s32 $0x3210FEDC  }
0xc: {  	s4 =	sadd.s32 $0x200, s0;
	s7 =	sadd.s32 $0x186C00, s0;
	s8 =	sadd.s32 $0xA200, s0;
	v20 =	vand.u32 $0xF, v20;
	v13 =	vunpack.c.0.s8.s32 v2;
	v2 =	vunpack.c.l.s4.s8 v3  }
0xd: {  	s9 =	sadd.s32 $0x28C00, s0;
	s2 =	sor.u32 s1, s2;
	s1 =	ssub.s32 $0x2, s1;
	v3 =	vimm.s32 $0xBA987654;
	v4 =	vcombine.low v9, v8;
	v63 =	vcombine.low v8, v9  }
0xe: {  	s10 =	sadd.s32 $0x2BE00, s0;
	s11 =	smul.u32 $0x2800, s2;
	s14 =	sshrl.u32 s1, $0x1;
	v9 =	vand.u32 $0xF, v24;
	v5 =	vcombine.low v11, v10;
	v3 =	vunpack.c.l.s4.s8 v3  }
0xf: {  	_ =	strace $0x80000047;
	s2 =	simm.s32 $0x9;
	s15 =	ssub.s32 s1, s14;
	v11 =	vcombine.low v10, v11;
	v6 =	vcombine.low v13, v12;
	v14 =	vunpack.c.0.s8.s32 v2  }
0x10: {  	s14 =	simm.s32 $0x4;
	s3 =	sshrl.u32 s11, $0x3;
	s22 =	sor.u32 $0x400, s11;
	v2 =	vimm.s32 $0x43210FED;
	v12 =	vcombine.low v12, v13;
	v15 =	vunpack.c.0.s8.s32 v3  }
0x11: {  	s24 =	sadd.s32 $0x800, s11;
	s17 =	smov.u32 s11;
	[dreg:$0x7] =	wrdreg s22;
	v7 =	vunpack.c.l.s4.s8 v2;
	v3 =	vand.u32 $0xF, v5;
	v5 =	vunpack.c.l.s4.s8 v16  }
0x12: {  	s25 =	sadd.s32 $0xC00, s11;
	s0 =	smax.u32 s15, $0x1;
	[dreg:$0x8] =	wrdreg s24;
	v10 =	vand.u32 $0xF, v63;
	v2 =	vand.u32 $0xF, v4;
	v11 =	vand.u32 $0xF, v11  }
0x13: {  	s11 =	simm.s32 $0xA;
	s18 =	sor.u32 $0x80, s3;
	[dreg:$0x9] =	wrdreg s25;
	v4 =	vand.u32 $0xF, v6;
	v16 =	vunpack.c.0.s8.s32 v7;
	v17 =	vunpack.c.0.s8.s32 v5  }
0x14: {  	s19 =	sadd.s32 s6, s3;
	s20 =	sadd.s32 s4, s3;
	[dreg:$0xc] =	wrdreg s0;
	v5 =	vimm.s32 $0x543210FE;
	v7 =	vimm.s32 $0xDCBA9876;
	v13 =	vcombine.low v14, v15  }
0x15: {  	s23 =	sadd.s32 s10, s3;
	s22 =	simm.s32 $0x1;
	[dreg:$0x3] =	wrdreg s19;
	v12 =	vand.u32 $0xF, v12;
	v5 =	vunpack.c.l.s4.s8 v5;
	v7 =	vunpack.c.l.s4.s8 v7  }
0x16: {  	s24 =	simm.s32 $0x4800;
	[dreg:$0x4] =	wrdreg s20;
	s21 =	sadd.s32 s6, s18;
	v6 =	vcombine.low v15, v14;
	v14 =	vcombine.low v16, v17;
	v13 =	vand.u32 $0xF, v13  }
0x17: {  	s25 =	simm.s32 $0x7;
	s1 =	sadd.s32 s4, s18;
	[dreg:$0x5] =	wrdreg s21;
	v22 =	vunpack.c.0.s8.s32 v5;
	v23 =	vunpack.c.0.s8.s32 v7;
	v7 =	vunpack.c.l.s4.s8 v21  }
0x18: {  	s3 =	simm.s32 $0x0;
	s26 =	sadd.s32 $0x400, s23;
	[dreg:$0x6] =	wrdreg s1;
	v5 =	vand.u32 $0xF, v6;
	v6 =	vcombine.low v17, v16;
	v16 =	vcombine.low v18, v19  }
0x19: {  	s18 =	simm.s32 $0x5;
	s20 =	simm.s32 $0xB;
	[dreg:$0xa] =	wrdreg s26;
	v7 =	vunpack.c.0.s8.s32 v7;
	v62 =	vcombine.low v23, v22;
	v15 =	vcombine.low v22, v23  }
0x1a: {  	s1 =	sadd.s32 $0x480, s23;
	s21 =	simm.s32 $0x400;
	s23 =	simm.s32 $0x800;
	v14 =	vand.u32 $0xF, v14;
	v6 =	vand.u32 $0xF, v6;
	v16 =	vand.u32 $0xF, v16  }
0x1b: {  	s26 =	simm.s32 $0x8;
	[dreg:$0xb] =	wrdreg s1;
	s1 =	simm.s32 $0xDC00;
	v7 =	vcombine.low v20, v7;
	v8 =	vand.u32 $0xF, v62;
	v15 =	vand.u32 $0xF, v15  }
.LBB2_1:
0x1c: {  	[dreg:$0xd] =	wrdreg s3  }
0x1d: {  	s0 =	rddreg [dreg:$0x3]  }
0x1e: {  	[tilespmem:s16], [sflag:$0x1] =	stream.linear.gather [hbm4b:s0+s16], $0x400, $0x38;
	[tilespmem:$0x12800] =	vst v63  }
0x1f: {  	s19 =	rddreg [dreg:$0x4]  }
0x20: {  	[tilespmem:s21], [sflag:$0x1] =	stream.linear.gather [hbm4b:s19+s16], $0x400, $0x38;
	[tilespmem:$0x12800] =	vst v63  }
0x21: {  	_ =	swait.ge [sflag:s22], $0x400  }
0x22: {  	[sflag:s22] =	ssyncset.done $0x0  }
0x23: {  	[sflag:s22] =	ssyncadd.s32 $0xFFFFFC00  }
0x24: {  	_ =	swait.ge [sflag:s22], $0x400  }
0x25: {  	[sflag:s22] =	ssyncset.done $0x0  }
0x26: {  	[sflag:s22] =	ssyncadd.s32 $0xFFFFFC00  }
0x27: {  	[tilespmem:s23], [sflag:$0x2] =	stream.indirect.gather [hbm4b:s5+s21], $0x10, s16, s21, $0xb8;
	[tilespmem:$0x12800] =	vst v63  }
0x28: {  	_ = 	snop  }
0x29: {  	[tilespmem:s24], [sflag:$0x3] =	stream.indirect.gather [hbm4b:s7+s21], $0x10, s21, s21, $0xb8;
	[tilespmem:$0x12800] =	vst v63  }
0x2a: {  	s3 =	simm.s32 $0x8800  }
0x2b: {  	[tilespmem:s3], [sflag:$0x4] =	stream.indirect.gather [hbm4b:s8+s21], $0x1, s16, s21, $0xb8;
	[tilespmem:$0x12800] =	vst v63  }
0x2c: {  	s6 =	simm.s32 $0x8C00  }
0x2d: {  	[tilespmem:s6], [sflag:$0x5] =	stream.indirect.gather [hbm4b:s9+s21], $0x1, s21, s21, $0xb8;
	[tilespmem:$0x12800] =	vst v63  }
0x2e: {  	s15 =	rddreg [dreg:$0x5]  }
0x2f: {  	[tilespmem:s28], [sflag:$0x6] =	stream.linear.gather [hbm4b:s15+s16], $0x400, $0x38;
	[tilespmem:$0x12800] =	vst v63  }
0x30: {  	s19 =	rddreg [dreg:$0x6]  }
0x31: {  	[tilespmem:s29], [sflag:$0x6] =	stream.linear.gather [hbm4b:s19+s16], $0x400, $0x38;
	[tilespmem:$0x12800] =	vst v63  }
0x32: {  	s19 =	simm.s32 $0x0  }
.LBB2_2:
0x33: {  	_ =	swait.ge [sflag:s30], $0x400  }
0x34: {  	[sflag:s30] =	ssyncset.done $0x0  }
0x35: {  	[sflag:s30] =	ssyncadd.s32 $0xFFFFFC00  }
0x36: {  	_ =	swait.ge [sflag:s30], $0x400  }
0x37: {  	[sflag:s30] =	ssyncset.done $0x0  }
0x38: {  	[sflag:s30] =	ssyncadd.s32 $0xFFFFFC00  }
0x39: {  	[tilespmem:s31], [sflag:$0x7] =	stream.indirect.gather [hbm4b:s5+s21], $0x10, s28, s21, $0xb8;
	[tilespmem:$0x12800] =	vst v63  }
0x3a: {  	_ = 	snop  }
0x3b: {  	[tilespmem:s1], [sflag:$0x8] =	stream.indirect.gather [hbm4b:s7+s21], $0x10, s29, s21, $0xb8;
	[tilespmem:$0x12800] =	vst v63  }
0x3c: {  	s0 =	simm.s32 $0x11C00  }
0x3d: {  	[tilespmem:s0], [sflag:$0x9] =	stream.indirect.gather [hbm4b:s8+s21], $0x1, s28, s21, $0xb8;
	[tilespmem:$0x12800] =	vst v63  }
0x3e: {  	s15 =	simm.s32 $0x12000  }
0x3f: {  	[tilespmem:s15], [sflag:$0xA] =	stream.indirect.gather [hbm4b:s9+s21], $0x1, s29, s21, $0xb8;
	[tilespmem:$0x12800] =	vst v63  }
0x40: {  	_ =	swait.ge [sflag:s12], $0x4000  }
0x41: {  	[sflag:s12] =	ssyncset.done $0x0  }
0x42: {  	[sflag:s12] =	ssyncadd.s32 $0xFFFFC000  }
0x43: {  	_ =	swait.ge [sflag:s13], $0x4000  }
0x44: {  	[sflag:s13] =	ssyncset.done $0x0  }
0x45: {  	[sflag:s13] =	ssyncadd.s32 $0xFFFFC000  }
0x46: {  	_ =	swait.ge [sflag:s14], $0x400  }
0x47: {  	[sflag:s14] =	ssyncset.done $0x0  }
0x48: {  	[sflag:s14] =	ssyncadd.s32 $0xFFFFFC00  }
0x49: {  	s3 =	sshll.u32 s19, $0xB;
	_ =	swait.ge [sflag:s18], $0x400  }
0x4a: {  	s16 =	simm.s32 $0x0;
	s6 =	rddreg [dreg:$0x8];
	[sflag:s18] =	ssyncset.done $0x0  }
0x4b: {  	v17 =	vmov s16;
	s6 =	sadd.s32 s3, s6;
	[sflag:s18] =	ssyncadd.s32 $0xFFFFFC00  }
0x4c: {  	v17 =	vshll.u32 v17, $0x4;
	s6 =	sshrl.u32 s6, $0x3;
	s15 =	rddreg [dreg:$0x0]  }
0x4d: {  	v17 =	vor.u32 v1, v17;
	s15 =	sadd.s32 s15, s6  }
0x4e: {  	v18 =	vor.u32 v0, v17;
	[tilespmem:s16], [sflag:$0x1] =	stream.linear.gather [hbm4b:s15+s16], $0x400, $0x38;
	[tilespmem:$0x12800] =	vst v63  }
0x4f: {  	s6 =	sadd.s32 s4, s6  }
0x50: {  	[tilespmem:s21], [sflag:$0x1] =	stream.linear.gather [hbm4b:s6+s16], $0x400, $0x38;
	[tilespmem:$0x12800] =	vst v63  }
0x51: {  	v19 =	vor.u32 v2, v17;
	s6 =	simm.s32 $0x8C00  }
0x52: {  	v20 =	vld [tilespmem:s6+$0x0]  }
0x53: {  	v21 =	vor.u32 v3, v17;
	v22 =	vld.idx.msk [tilespmem:v18+s23+$0x0], $0xffff  }
0x54: {  	s15 =	simm.s32 $0x8800;
	v18 =	vld.idx.msk [tilespmem:v18+s24+$0x0], $0xffff  }
0x55: {  	v23 =	vor.u32 v4, v17;
	v24 =	vld [tilespmem:s15+$0x0]  }
0x56: {  	v25 =	vld.idx.msk [tilespmem:v19+s23+$0x0], $0xffff  }
0x57: {  	v26 =	vor.u32 v5, v17;
	v19 =	vld.idx.msk [tilespmem:v19+s24+$0x0], $0xffff  }
0x58: {  	v27 =	vld.idx.msk [tilespmem:v21+s23+$0x0], $0xffff  }
0x59: {  	v28 =	vor.u32 v6, v17;
	v21 =	vld.idx.msk [tilespmem:v21+s24+$0x0], $0xffff  }
0x5a: {  	v29 =	vld.idx.msk [tilespmem:v23+s23+$0x0], $0xffff;
	v20 =	vadd.f32 v20, v24;
	v18 =	vmul.f32 v18, v22  }
0x5b: {  	v22 =	vld.idx.msk [tilespmem:v23+s24+$0x0], $0xffff;
	v23 =	vor.u32 v8, v17  }
0x5c: {  	v56 =	vld.idx.msk [tilespmem:v26+s23+$0x0], $0xffff;
	v19 =	vmul.f32 v19, v25;
	v18 =	vadd.f32 v18, v20  }
0x5d: {  	v57 =	vor.u32 v9, v17;
	v20 =	vld.idx.msk [tilespmem:v26+s24+$0x0], $0xffff  }
0x5e: {  	v58 =	vld.idx.msk [tilespmem:v28+s23+$0x0], $0xffff;
	v18 =	vadd.f32 v19, v18;
	v19 =	vmul.f32 v21, v27  }
0x5f: {  	v59 =	vor.u32 v7, v17;
	v21 =	vld.idx.msk [tilespmem:v28+s24+$0x0], $0xffff  }
0x60: {  	v60 =	vld.idx.msk [tilespmem:v23+s23+$0x0], $0xffff;
	v18 =	vadd.f32 v19, v18;
	v19 =	vmul.f32 v22, v29  }
0x61: {  	v22 =	vld.idx.msk [tilespmem:v23+s24+$0x0], $0xffff;
	v23 =	vor.u32 v10, v17  }
0x62: {  	v61 =	vld.idx.msk [tilespmem:v57+s23+$0x0], $0xffff;
	v18 =	vadd.f32 v19, v18;
	v19 =	vmul.f32 v20, v56  }
0x63: {  	v62 =	vor.u32 v11, v17;
	v20 =	vld.idx.msk [tilespmem:v57+s24+$0x0], $0xffff  }
0x64: {  	v63 =	vld.idx.msk [tilespmem:v59+s23+$0x0], $0xffff;
	v18 =	vadd.f32 v19, v18;
	v19 =	vmul.f32 v21, v58  }
0x65: {  	v32 =	vor.u32 v12, v17;
	v21 =	vld.idx.msk [tilespmem:v59+s24+$0x0], $0xffff  }
0x66: {  	v33 =	vld.idx.msk [tilespmem:v23+s23+$0x0], $0xffff;
	v18 =	vadd.f32 v19, v18;
	v19 =	vmul.f32 v22, v60  }
0x67: {  	v22 =	vld.idx.msk [tilespmem:v23+s24+$0x0], $0xffff;
	v23 =	vor.u32 v13, v17  }
0x68: {  	v34 =	vld.idx.msk [tilespmem:v62+s23+$0x0], $0xffff;
	v18 =	vadd.f32 v19, v18;
	v19 =	vmul.f32 v20, v61  }
0x69: {  	v35 =	vor.u32 v14, v17;
	v20 =	vld.idx.msk [tilespmem:v62+s24+$0x0], $0xffff  }
0x6a: {  	v36 =	vld.idx.msk [tilespmem:v32+s23+$0x0], $0xffff;
	v18 =	vadd.f32 v19, v18;
	v19 =	vmul.f32 v21, v63  }
0x6b: {  	v37 =	vor.u32 v15, v17;
	v21 =	vld.idx.msk [tilespmem:v32+s24+$0x0], $0xffff  }
0x6c: {  	v38 =	vld.idx.msk [tilespmem:v23+s23+$0x0], $0xffff;
	v18 =	vadd.f32 v19, v18;
	v19 =	vmul.f32 v22, v33  }
0x6d: {  	v17 =	vor.u32 v16, v17;
	v22 =	vld.idx.msk [tilespmem:v23+s24+$0x0], $0xffff  }
0x6e: {  	v23 =	vld.idx.msk [tilespmem:v35+s23+$0x0], $0xffff;
	v18 =	vadd.f32 v19, v18;
	v19 =	vmul.f32 v20, v34  }
0x6f: {  	v20 =	vld.idx.msk [tilespmem:v35+s24+$0x0], $0xffff  }
0x70: {  	v39 =	vld.idx.msk [tilespmem:v37+s23+$0x0], $0xffff;
	v18 =	vadd.f32 v19, v18;
	v19 =	vmul.f32 v21, v36  }
0x71: {  	v21 =	vld.idx.msk [tilespmem:v37+s24+$0x0], $0xffff  }
0x72: {  	v40 =	vld.idx.msk [tilespmem:v17+s23+$0x0], $0xffff;
	v18 =	vadd.f32 v19, v18;
	v19 =	vmul.f32 v22, v38  }
0x73: {  	v17 =	vld.idx.msk [tilespmem:v17+s24+$0x0], $0xffff  }
0x74: {  	v18 =	vadd.f32 v19, v18;
	v19 =	vmul.f32 v20, v23  }
0x75: {  	s16 =	simm.s32 $0x10  }
0x76: {  	v20 =	vmov s16;
	v18 =	vadd.f32 v19, v18;
	v19 =	vmul.f32 v21, v39  }
0x77: {  	v20 =	vshll.u32 v20, $0x4  }
0x78: {  	v17 =	vmul.f32 v17, v40;
	v20 =	vor.u32 v1, v20;
	v18 =	vadd.f32 v19, v18  }
0x79: {  	v19 =	vor.u32 v0, v20  }
0x7a: {  	v17 =	vadd.f32 v17, v18  }
0x7b: {  	s0 =	simm.s32 $0x9000  }
0x7c: {  	s6 =	simm.s32 $0x8C10;
	v18 =	vor.u32 v2, v20;
	[tilespmem:s0+$0x0] =	vst v17  }
0x7d: {  	v17 =	vld [tilespmem:s6+$0x0]  }
0x7e: {  	v21 =	vor.u32 v3, v20;
	v22 =	vld.idx.msk [tilespmem:v19+s23+$0x0], $0xffff  }
0x7f: {  	s15 =	simm.s32 $0x8810;
	v19 =	vld.idx.msk [tilespmem:v19+s24+$0x0], $0xffff  }
0x80: {  	v23 =	vor.u32 v4, v20;
	v41 =	vld [tilespmem:s15+$0x0]  }
0x81: {  	v42 =	vld.idx.msk [tilespmem:v18+s23+$0x0], $0xffff  }
0x82: {  	v43 =	vor.u32 v5, v20;
	v18 =	vld.idx.msk [tilespmem:v18+s24+$0x0], $0xffff  }
0x83: {  	v44 =	vld.idx.msk [tilespmem:v21+s23+$0x0], $0xffff  }
0x84: {  	v45 =	vor.u32 v6, v20;
	v21 =	vld.idx.msk [tilespmem:v21+s24+$0x0], $0xffff  }
0x85: {  	v46 =	vld.idx.msk [tilespmem:v23+s23+$0x0], $0xffff;
	v17 =	vadd.f32 v17, v41;
	v19 =	vmul.f32 v19, v22  }
0x86: {  	v22 =	vld.idx.msk [tilespmem:v23+s24+$0x0], $0xffff;
	v23 =	vor.u32 v8, v20  }
0x87: {  	v47 =	vld.idx.msk [tilespmem:v43+s23+$0x0], $0xffff;
	v17 =	vadd.f32 v19, v17;
	v18 =	vmul.f32 v18, v42  }
0x88: {  	v48 =	vor.u32 v9, v20;
	v19 =	vld.idx.msk [tilespmem:v43+s24+$0x0], $0xffff  }
0x89: {  	v49 =	vld.idx.msk [tilespmem:v45+s23+$0x0], $0xffff;
	v17 =	vadd.f32 v18, v17;
	v18 =	vmul.f32 v21, v44  }
0x8a: {  	v50 =	vor.u32 v7, v20;
	v21 =	vld.idx.msk [tilespmem:v45+s24+$0x0], $0xffff  }
0x8b: {  	v51 =	vld.idx.msk [tilespmem:v23+s23+$0x0], $0xffff;
	v17 =	vadd.f32 v18, v17;
	v18 =	vmul.f32 v22, v46  }
0x8c: {  	v22 =	vld.idx.msk [tilespmem:v23+s24+$0x0], $0xffff;
	v23 =	vor.u32 v10, v20  }
0x8d: {  	v52 =	vld.idx.msk [tilespmem:v48+s23+$0x0], $0xffff;
	v17 =	vadd.f32 v18, v17;
	v18 =	vmul.f32 v19, v47  }
0x8e: {  	v53 =	vor.u32 v11, v20;
	v19 =	vld.idx.msk [tilespmem:v48+s24+$0x0], $0xffff  }
0x8f: {  	v54 =	vld.idx.msk [tilespmem:v50+s23+$0x0], $0xffff;
	v17 =	vadd.f32 v18, v17;
	v18 =	vmul.f32 v21, v49  }
0x90: {  	v55 =	vor.u32 v12, v20;
	v21 =	vld.idx.msk [tilespmem:v50+s24+$0x0], $0xffff  }
0x91: {  	v56 =	vld.idx.msk [tilespmem:v23+s23+$0x0], $0xffff;
	v17 =	vadd.f32 v18, v17;
	v18 =	vmul.f32 v22, v51  }
0x92: {  	v22 =	vld.idx.msk [tilespmem:v23+s24+$0x0], $0xffff;
	v23 =	vor.u32 v13, v20  }
0x93: {  	v57 =	vld.idx.msk [tilespmem:v53+s23+$0x0], $0xffff;
	v17 =	vadd.f32 v18, v17;
	v18 =	vmul.f32 v19, v52  }
0x94: {  	v58 =	vor.u32 v14, v20;
	v19 =	vld.idx.msk [tilespmem:v53+s24+$0x0], $0xffff  }
0x95: {  	v59 =	vld.idx.msk [tilespmem:v55+s23+$0x0], $0xffff;
	v17 =	vadd.f32 v18, v17;
	v18 =	vmul.f32 v21, v54  }
0x96: {  	v60 =	vor.u32 v15, v20;
	v21 =	vld.idx.msk [tilespmem:v55+s24+$0x0], $0xffff  }
0x97: {  	v61 =	vld.idx.msk [tilespmem:v23+s23+$0x0], $0xffff;
	v17 =	vadd.f32 v18, v17;
	v18 =	vmul.f32 v22, v56  }
0x98: {  	v20 =	vor.u32 v16, v20;
	v22 =	vld.idx.msk [tilespmem:v23+s24+$0x0], $0xffff  }
0x99: {  	v23 =	vld.idx.msk [tilespmem:v58+s23+$0x0], $0xffff;
	v17 =	vadd.f32 v18, v17;
	v18 =	vmul.f32 v19, v57  }
0x9a: {  	v19 =	vld.idx.msk [tilespmem:v58+s24+$0x0], $0xffff  }
0x9b: {  	v62 =	vld.idx.msk [tilespmem:v60+s23+$0x0], $0xffff;
	v17 =	vadd.f32 v18, v17;
	v18 =	vmul.f32 v21, v59  }
0x9c: {  	v21 =	vld.idx.msk [tilespmem:v60+s24+$0x0], $0xffff  }
0x9d: {  	v63 =	vld.idx.msk [tilespmem:v20+s23+$0x0], $0xffff;
	v17 =	vadd.f32 v18, v17;
	v18 =	vmul.f32 v22, v61  }
0x9e: {  	v20 =	vld.idx.msk [tilespmem:v20+s24+$0x0], $0xffff  }
0x9f: {  	s16 =	simm.s32 $0x20;
	v17 =	vadd.f32 v18, v17;
	v18 =	vmul.f32 v19, v23  }
0xa0: {  	v19 =	vmov s16  }
0xa1: {  	v19 =	vshll.u32 v19, $0x4;
	v21 =	vmul.f32 v21, v62;
	v22 =	vadd.f32 v18, v17  }
0xa2: {  	v17 =	vor.u32 v1, v19  }
0xa3: {  	v20 =	vmul.f32 v20, v63;
	s16 =	simm.s32 $0x30;
	v18 =	vor.u32 v2, v17;
	v19 =	vadd.f32 v21, v22  }
.LBB2_3:
0xa4: {  	p0 =	sne.s32 s16, $0x3F0  }
0xa5: {  	v21 =	vor.u32 v0, v17;
	v19 =	vadd.f32 v20, v19  }
0xa6: {  	s0 =	sadd.s32 $0x10, s0  }
0xa7: {  	[tilespmem:s0+$0x0] =	vst v19  }
0xa8: {  	s6 =	sadd.s32 $0x10, s6;
	v19 =	vld.idx.msk [tilespmem:v18+s23+$0x0], $0xffff  }
0xa9: {  	v22 =	vor.u32 v3, v17;
	v20 =	vld [tilespmem:s6+$0x0]  }
0xaa: {  	v23 =	vld.idx.msk [tilespmem:v21+s23+$0x0], $0xffff  }
0xab: {  	v24 =	vor.u32 v4, v17;
	s15 =	sadd.s32 $0x10, s15;
	v21 =	vld.idx.msk [tilespmem:v21+s24+$0x0], $0xffff  }
0xac: {  	v25 =	vld [tilespmem:s15+$0x0]  }
0xad: {  	v26 =	vor.u32 v5, v17;
	v18 =	vld.idx.msk [tilespmem:v18+s24+$0x0], $0xffff  }
0xae: {  	v27 =	vld.idx.msk [tilespmem:v22+s23+$0x0], $0xffff  }
0xaf: {  	v28 =	vor.u32 v6, v17;
	v22 =	vld.idx.msk [tilespmem:v22+s24+$0x0], $0xffff  }
0xb0: {  	v29 =	vld.idx.msk [tilespmem:v24+s23+$0x0], $0xffff  }
0xb1: {  	v21 =	vmul.f32 v21, v23;
	v20 =	vadd.f32 v20, v25;
	v23 =	vld.idx.msk [tilespmem:v24+s24+$0x0], $0xffff;
	v24 =	vor.u32 v8, v17  }
0xb2: {  	v25 =	vld.idx.msk [tilespmem:v26+s23+$0x0], $0xffff  }
0xb3: {  	v18 =	vmul.f32 v18, v19;
	v20 =	vadd.f32 v21, v20;
	v19 =	vld.idx.msk [tilespmem:v26+s24+$0x0], $0xffff;
	v21 =	vor.u32 v9, v17  }
0xb4: {  	v26 =	vld.idx.msk [tilespmem:v28+s23+$0x0], $0xffff  }
0xb5: {  	v18 =	vadd.f32 v18, v20;
	v20 =	vmul.f32 v22, v27;
	v22 =	vld.idx.msk [tilespmem:v28+s24+$0x0], $0xffff;
	v27 =	vor.u32 v7, v17  }
0xb6: {  	v28 =	vld.idx.msk [tilespmem:v24+s23+$0x0], $0xffff  }
0xb7: {  	v18 =	vadd.f32 v20, v18;
	v20 =	vmul.f32 v23, v29;
	v23 =	vld.idx.msk [tilespmem:v24+s24+$0x0], $0xffff;
	v24 =	vor.u32 v10, v17  }
0xb8: {  	v29 =	vld.idx.msk [tilespmem:v21+s23+$0x0], $0xffff  }
0xb9: {  	v19 =	vmul.f32 v19, v25;
	v18 =	vadd.f32 v20, v18;
	v20 =	vld.idx.msk [tilespmem:v21+s24+$0x0], $0xffff;
	v21 =	vor.u32 v11, v17  }
0xba: {  	v25 =	vld.idx.msk [tilespmem:v27+s23+$0x0], $0xffff  }
0xbb: {  	v18 =	vadd.f32 v19, v18;
	v19 =	vmul.f32 v22, v26;
	v22 =	vld.idx.msk [tilespmem:v27+s24+$0x0], $0xffff;
	v26 =	vor.u32 v12, v17  }
0xbc: {  	v27 =	vld.idx.msk [tilespmem:v24+s23+$0x0], $0xffff  }
0xbd: {  	v18 =	vadd.f32 v19, v18;
	v19 =	vmul.f32 v23, v28;
	v23 =	vld.idx.msk [tilespmem:v24+s24+$0x0], $0xffff;
	v24 =	vor.u32 v13, v17  }
0xbe: {  	v28 =	vld.idx.msk [tilespmem:v21+s23+$0x0], $0xffff  }
0xbf: {  	v18 =	vadd.f32 v19, v18;
	v19 =	vmul.f32 v20, v29;
	v20 =	vld.idx.msk [tilespmem:v21+s24+$0x0], $0xffff;
	v21 =	vor.u32 v14, v17  }
0xc0: {  	v29 =	vld.idx.msk [tilespmem:v26+s23+$0x0], $0xffff  }
0xc1: {  	v18 =	vadd.f32 v19, v18;
	v19 =	vmul.f32 v22, v25;
	v22 =	vld.idx.msk [tilespmem:v26+s24+$0x0], $0xffff;
	v25 =	vor.u32 v15, v17  }
0xc2: {  	v26 =	vld.idx.msk [tilespmem:v24+s23+$0x0], $0xffff  }
0xc3: {  	v17 =	vor.u32 v16, v17;
	v18 =	vadd.f32 v19, v18;
	v19 =	vmul.f32 v23, v27;
	v23 =	vld.idx.msk [tilespmem:v24+s24+$0x0], $0xffff  }
0xc4: {  	v24 =	vld.idx.msk [tilespmem:v21+s23+$0x0], $0xffff  }
0xc5: {  	v18 =	vadd.f32 v19, v18;
	v19 =	vmul.f32 v20, v28;
	v20 =	vld.idx.msk [tilespmem:v21+s24+$0x0], $0xffff  }
0xc6: {  	v21 =	vld.idx.msk [tilespmem:v25+s23+$0x0], $0xffff  }
0xc7: {  	v18 =	vadd.f32 v19, v18;
	v19 =	vmul.f32 v22, v29;
	v22 =	vld.idx.msk [tilespmem:v25+s24+$0x0], $0xffff  }
0xc8: {  	v25 =	vld.idx.msk [tilespmem:v17+s23+$0x0], $0xffff  }
0xc9: {  	v18 =	vadd.f32 v19, v18;
	v19 =	vmul.f32 v23, v26;
	v23 =	vld.idx.msk [tilespmem:v17+s24+$0x0], $0xffff;
	_ =	sdelay $0x1  }
.Ltmp0:
0xca: {  	v17 =	vadd.f32 v19, v18;
	v18 =	vmul.f32 v20, v24;
	(pc) =	sbr.rel @p0 .LBB2_3-.Ltmp0, $4  }
0xcb: {  	v19 =	vmov s16  }
0xcc: {  	v19 =	vshll.u32 v19, $0x4;
	v21 =	vmul.f32 v22, v21;
	v20 =	vadd.f32 v18, v17  }
0xcd: {  	v17 =	vor.u32 v1, v19  }
0xce: {  	s16 =	sadd.s32 $0x10, s16;
	v18 =	vor.u32 v2, v17;
	v19 =	vadd.f32 v21, v20;
	v20 =	vmul.f32 v23, v25  }
0xcf: {  	_ = 	snop  }
0xd0: {  	v21 =	vor.u32 v0, v17;
	v19 =	vadd.f32 v20, v19  }
0xd1: {  	s0 =	sadd.s32 $0x10, s0  }
0xd2: {  	s6 =	sadd.s32 $0x10, s6;
	[tilespmem:s0+$0x0] =	vst v19  }
0xd3: {  	s15 =	sadd.s32 $0x10, s15;
	v19 =	vld [tilespmem:s6+$0x0]  }
0xd4: {  	v20 =	vor.u32 v3, v17;
	v24 =	vld [tilespmem:s15+$0x0]  }
0xd5: {  	v22 =	vld.idx.msk [tilespmem:v21+s23+$0x0], $0xffff  }
0xd6: {  	v23 =	vor.u32 v4, v17;
	v21 =	vld.idx.msk [tilespmem:v21+s24+$0x0], $0xffff  }
0xd7: {  	v25 =	vld.idx.msk [tilespmem:v18+s23+$0x0], $0xffff  }
0xd8: {  	v26 =	vor.u32 v5, v17;
	v18 =	vld.idx.msk [tilespmem:v18+s24+$0x0], $0xffff  }
0xd9: {  	v27 =	vld.idx.msk [tilespmem:v20+s23+$0x0], $0xffff  }
0xda: {  	v28 =	vor.u32 v6, v17;
	v20 =	vld.idx.msk [tilespmem:v20+s24+$0x0], $0xffff  }
0xdb: {  	v29 =	vld.idx.msk [tilespmem:v23+s23+$0x0], $0xffff;
	v19 =	vadd.f32 v19, v24;
	v21 =	vmul.f32 v21, v22  }
0xdc: {  	v22 =	vld.idx.msk [tilespmem:v23+s24+$0x0], $0xffff;
	v23 =	vor.u32 v8, v17  }
0xdd: {  	v33 =	vld.idx.msk [tilespmem:v26+s23+$0x0], $0xffff;
	v18 =	vmul.f32 v18, v25;
	v19 =	vadd.f32 v21, v19  }
0xde: {  	v34 =	vor.u32 v9, v17;
	v21 =	vld.idx.msk [tilespmem:v26+s24+$0x0], $0xffff  }
0xdf: {  	v35 =	vld.idx.msk [tilespmem:v28+s23+$0x0], $0xffff;
	v18 =	vadd.f32 v18, v19;
	v19 =	vmul.f32 v20, v27  }
0xe0: {  	v36 =	vor.u32 v7, v17;
	v20 =	vld.idx.msk [tilespmem:v28+s24+$0x0], $0xffff  }
0xe1: {  	v37 =	vld.idx.msk [tilespmem:v23+s23+$0x0], $0xffff;
	v18 =	vadd.f32 v19, v18;
	v19 =	vmul.f32 v22, v29  }
0xe2: {  	v22 =	vld.idx.msk [tilespmem:v23+s24+$0x0], $0xffff;
	v23 =	vor.u32 v10, v17  }
0xe3: {  	v38 =	vld.idx.msk [tilespmem:v34+s23+$0x0], $0xffff;
	v18 =	vadd.f32 v19, v18;
	v19 =	vmul.f32 v21, v33  }
0xe4: {  	v39 =	vor.u32 v11, v17;
	v21 =	vld.idx.msk [tilespmem:v34+s24+$0x0], $0xffff  }
0xe5: {  	v40 =	vld.idx.msk [tilespmem:v36+s23+$0x0], $0xffff;
	v18 =	vadd.f32 v19, v18;
	v19 =	vmul.f32 v20, v35  }
0xe6: {  	v41 =	vor.u32 v12, v17;
	v20 =	vld.idx.msk [tilespmem:v36+s24+$0x0], $0xffff  }
0xe7: {  	v42 =	vld.idx.msk [tilespmem:v23+s23+$0x0], $0xffff;
	v18 =	vadd.f32 v19, v18;
	v19 =	vmul.f32 v22, v37  }
0xe8: {  	v22 =	vld.idx.msk [tilespmem:v23+s24+$0x0], $0xffff;
	v23 =	vor.u32 v13, v17  }
0xe9: {  	v43 =	vld.idx.msk [tilespmem:v39+s23+$0x0], $0xffff;
	v18 =	vadd.f32 v19, v18;
	v19 =	vmul.f32 v21, v38  }
0xea: {  	v44 =	vor.u32 v14, v17;
	v21 =	vld.idx.msk [tilespmem:v39+s24+$0x0], $0xffff  }
0xeb: {  	v45 =	vld.idx.msk [tilespmem:v41+s23+$0x0], $0xffff;
	v18 =	vadd.f32 v19, v18;
	v19 =	vmul.f32 v20, v40  }
0xec: {  	v46 =	vor.u32 v15, v17;
	v20 =	vld.idx.msk [tilespmem:v41+s24+$0x0], $0xffff  }
0xed: {  	v47 =	vld.idx.msk [tilespmem:v23+s23+$0x0], $0xffff;
	v18 =	vadd.f32 v19, v18;
	v19 =	vmul.f32 v22, v42  }
0xee: {  	v17 =	vor.u32 v16, v17;
	v22 =	vld.idx.msk [tilespmem:v23+s24+$0x0], $0xffff  }
0xef: {  	v23 =	vld.idx.msk [tilespmem:v44+s23+$0x0], $0xffff;
	v18 =	vadd.f32 v19, v18;
	v19 =	vmul.f32 v21, v43  }
0xf0: {  	v21 =	vld.idx.msk [tilespmem:v44+s24+$0x0], $0xffff  }
0xf1: {  	v48 =	vld.idx.msk [tilespmem:v46+s23+$0x0], $0xffff;
	v18 =	vadd.f32 v19, v18;
	v19 =	vmul.f32 v20, v45  }
0xf2: {  	v20 =	vld.idx.msk [tilespmem:v46+s24+$0x0], $0xffff  }
0xf3: {  	v49 =	vld.idx.msk [tilespmem:v17+s23+$0x0], $0xffff;
	v18 =	vadd.f32 v19, v18;
	v19 =	vmul.f32 v22, v47  }
0xf4: {  	v17 =	vld.idx.msk [tilespmem:v17+s24+$0x0], $0xffff  }
0xf5: {  	v18 =	vadd.f32 v19, v18;
	v19 =	vmul.f32 v21, v23;
	_ =	sdelay $0x1  }
0xf6: {  	v18 =	vadd.f32 v19, v18;
	v19 =	vmul.f32 v20, v48;
	_ =	sdelay $0x1  }
0xf7: {  	v17 =	vmul.f32 v17, v49;
	v18 =	vadd.f32 v19, v18;
	_ =	sdelay $0x1  }
0xf8: {  	s16 =	sadd.s32 s17, s3;
	v17 =	vadd.f32 v17, v18  }
0xf9: {  	s0 =	sadd.s32 $0x10, s0;
	s6 =	sshrl.u32 s16, $0x3  }
0xfa: {  	s16 =	simm.s32 $0x9000;
	s15 =	sadd.s32 s10, s6;
	s6 =	simm.s32 $0x0;
	[tilespmem:s0+$0x0] =	vst v17  }
0xfb: {  	[hbm4b:s15+s6] =	stream.linear.scatter [tilespmem:s16], [sflag:$0xB], $0x400, $0x38;
	[tilespmem:$0x12800] =	vst v63  }
0xfc: {  	_ =	swait.ge [sflag:s20], $0x400  }
0xfd: {  	[sflag:s20] =	ssyncset.done $0x0  }
0xfe: {  	[sflag:s20] =	ssyncadd.s32 $0xFFFFFC00  }
0xff: {  	_ =	swait.ge [sflag:s22], $0x400  }
0x100: {  	[sflag:s22] =	ssyncset.done $0x0  }
0x101: {  	[sflag:s22] =	ssyncadd.s32 $0xFFFFFC00  }
0x102: {  	_ =	swait.ge [sflag:s22], $0x400  }
0x103: {  	[sflag:s22] =	ssyncset.done $0x0  }
0x104: {  	[sflag:s22] =	ssyncadd.s32 $0xFFFFFC00  }
0x105: {  	[tilespmem:s23], [sflag:$0x2] =	stream.indirect.gather [hbm4b:s5+s21], $0x10, s6, s21, $0xb8;
	[tilespmem:$0x12800] =	vst v63  }
0x106: {  	_ = 	snop  }
0x107: {  	[tilespmem:s24], [sflag:$0x3] =	stream.indirect.gather [hbm4b:s7+s21], $0x10, s21, s21, $0xb8;
	[tilespmem:$0x12800] =	vst v63  }
0x108: {  	s15 =	simm.s32 $0x8800  }
0x109: {  	[tilespmem:s15], [sflag:$0x4] =	stream.indirect.gather [hbm4b:s8+s21], $0x1, s6, s21, $0xb8;
	[tilespmem:$0x12800] =	vst v63  }
0x10a: {  	s15 =	rddreg [dreg:$0x9]  }
0x10b: {  	s16 =	simm.s32 $0x8C00;
	s0 =	sadd.s32 s3, s15  }
0x10c: {  	[tilespmem:s16], [sflag:$0x5] =	stream.indirect.gather [hbm4b:s9+s21], $0x1, s21, s21, $0xb8;
	[tilespmem:$0x12800] =	vst v63  }
0x10d: {  	s0 =	sshrl.u32 s0, $0x3;
	s16 =	rddreg [dreg:$0x0]  }
0x10e: {  	s15 =	sadd.s32 s16, s0  }
0x10f: {  	[tilespmem:s28], [sflag:$0x6] =	stream.linear.gather [hbm4b:s15+s6], $0x400, $0x38;
	[tilespmem:$0x12800] =	vst v63  }
0x110: {  	s0 =	sadd.s32 s4, s0  }
0x111: {  	[tilespmem:s29], [sflag:$0x6] =	stream.linear.gather [hbm4b:s0+s6], $0x400, $0x38;
	[tilespmem:$0x12800] =	vst v63  }
0x112: {  	_ =	swait.ge [sflag:s25], $0x4000  }
0x113: {  	[sflag:s25] =	ssyncset.done $0x0  }
0x114: {  	[sflag:s25] =	ssyncadd.s32 $0xFFFFC000  }
0x115: {  	_ =	swait.ge [sflag:s26], $0x4000  }
0x116: {  	[sflag:s26] =	ssyncset.done $0x0  }
0x117: {  	v17 =	vmov s6;
	[sflag:s26] =	ssyncadd.s32 $0xFFFFC000  }
0x118: {  	v17 =	vshll.u32 v17, $0x4;
	_ =	swait.ge [sflag:s2], $0x400  }
0x119: {  	v17 =	vor.u32 v1, v17;
	[sflag:s2] =	ssyncset.done $0x0  }
0x11a: {  	v18 =	vor.u32 v0, v17;
	[sflag:s2] =	ssyncadd.s32 $0xFFFFFC00  }
0x11b: {  	_ =	swait.ge [sflag:s11], $0x400  }
0x11c: {  	[sflag:s11] =	ssyncset.done $0x0  }
0x11d: {  	v19 =	vor.u32 v2, v17;
	s6 =	simm.s32 $0x12000;
	[sflag:s11] =	ssyncadd.s32 $0xFFFFFC00  }
0x11e: {  	v20 =	vld [tilespmem:s6+$0x0]  }
0x11f: {  	v21 =	vor.u32 v3, v17;
	v22 =	vld.idx.msk [tilespmem:v18+s31+$0x0], $0xffff  }
0x120: {  	s15 =	simm.s32 $0x11C00;
	v18 =	vld.idx.msk [tilespmem:v18+s1+$0x0], $0xffff  }
0x121: {  	v23 =	vor.u32 v4, v17;
	v50 =	vld [tilespmem:s15+$0x0]  }
0x122: {  	v51 =	vld.idx.msk [tilespmem:v19+s31+$0x0], $0xffff  }
0x123: {  	v52 =	vor.u32 v5, v17;
	v19 =	vld.idx.msk [tilespmem:v19+s1+$0x0], $0xffff  }
0x124: {  	v53 =	vld.idx.msk [tilespmem:v21+s31+$0x0], $0xffff  }
0x125: {  	v54 =	vor.u32 v6, v17;
	v21 =	vld.idx.msk [tilespmem:v21+s1+$0x0], $0xffff  }
0x126: {  	v55 =	vld.idx.msk [tilespmem:v23+s31+$0x0], $0xffff;
	v20 =	vadd.f32 v20, v50;
	v18 =	vmul.f32 v18, v22  }
0x127: {  	v22 =	vld.idx.msk [tilespmem:v23+s1+$0x0], $0xffff;
	v23 =	vor.u32 v8, v17  }
0x128: {  	v56 =	vld.idx.msk [tilespmem:v52+s31+$0x0], $0xffff;
	v19 =	vmul.f32 v19, v51;
	v18 =	vadd.f32 v18, v20  }
0x129: {  	v57 =	vor.u32 v9, v17;
	v20 =	vld.idx.msk [tilespmem:v52+s1+$0x0], $0xffff  }
0x12a: {  	v58 =	vld.idx.msk [tilespmem:v54+s31+$0x0], $0xffff;
	v18 =	vadd.f32 v19, v18;
	v19 =	vmul.f32 v21, v53  }
0x12b: {  	v59 =	vor.u32 v7, v17;
	v21 =	vld.idx.msk [tilespmem:v54+s1+$0x0], $0xffff  }
0x12c: {  	v60 =	vld.idx.msk [tilespmem:v23+s31+$0x0], $0xffff;
	v18 =	vadd.f32 v19, v18;
	v19 =	vmul.f32 v22, v55  }
0x12d: {  	v22 =	vld.idx.msk [tilespmem:v23+s1+$0x0], $0xffff;
	v23 =	vor.u32 v10, v17  }
0x12e: {  	v61 =	vld.idx.msk [tilespmem:v57+s31+$0x0], $0xffff;
	v18 =	vadd.f32 v19, v18;
	v19 =	vmul.f32 v20, v56  }
0x12f: {  	v62 =	vor.u32 v11, v17;
	v20 =	vld.idx.msk [tilespmem:v57+s1+$0x0], $0xffff  }
0x130: {  	v63 =	vld.idx.msk [tilespmem:v59+s31+$0x0], $0xffff;
	v18 =	vadd.f32 v19, v18;
	v19 =	vmul.f32 v21, v58  }
0x131: {  	v32 =	vor.u32 v12, v17;
	v21 =	vld.idx.msk [tilespmem:v59+s1+$0x0], $0xffff  }
0x132: {  	v33 =	vld.idx.msk [tilespmem:v23+s31+$0x0], $0xffff;
	v18 =	vadd.f32 v19, v18;
	v19 =	vmul.f32 v22, v60  }
0x133: {  	v22 =	vld.idx.msk [tilespmem:v23+s1+$0x0], $0xffff;
	v23 =	vor.u32 v13, v17  }
0x134: {  	v34 =	vld.idx.msk [tilespmem:v62+s31+$0x0], $0xffff;
	v18 =	vadd.f32 v19, v18;
	v19 =	vmul.f32 v20, v61  }
0x135: {  	v35 =	vor.u32 v14, v17;
	v20 =	vld.idx.msk [tilespmem:v62+s1+$0x0], $0xffff  }
0x136: {  	v36 =	vld.idx.msk [tilespmem:v32+s31+$0x0], $0xffff;
	v18 =	vadd.f32 v19, v18;
	v19 =	vmul.f32 v21, v63  }
0x137: {  	v37 =	vor.u32 v15, v17;
	v21 =	vld.idx.msk [tilespmem:v32+s1+$0x0], $0xffff  }
0x138: {  	v38 =	vld.idx.msk [tilespmem:v23+s31+$0x0], $0xffff;
	v18 =	vadd.f32 v19, v18;
	v19 =	vmul.f32 v22, v33  }
0x139: {  	v17 =	vor.u32 v16, v17;
	v22 =	vld.idx.msk [tilespmem:v23+s1+$0x0], $0xffff  }
0x13a: {  	v23 =	vld.idx.msk [tilespmem:v35+s31+$0x0], $0xffff;
	v18 =	vadd.f32 v19, v18;
	v19 =	vmul.f32 v20, v34  }
0x13b: {  	v20 =	vld.idx.msk [tilespmem:v35+s1+$0x0], $0xffff  }
0x13c: {  	v39 =	vld.idx.msk [tilespmem:v37+s31+$0x0], $0xffff;
	v18 =	vadd.f32 v19, v18;
	v19 =	vmul.f32 v21, v36  }
0x13d: {  	v21 =	vld.idx.msk [tilespmem:v37+s1+$0x0], $0xffff  }
0x13e: {  	v40 =	vld.idx.msk [tilespmem:v17+s31+$0x0], $0xffff;
	v18 =	vadd.f32 v19, v18;
	v19 =	vmul.f32 v22, v38  }
0x13f: {  	v17 =	vld.idx.msk [tilespmem:v17+s1+$0x0], $0xffff  }
0x140: {  	v18 =	vadd.f32 v19, v18;
	v19 =	vmul.f32 v20, v23  }
0x141: {  	s16 =	simm.s32 $0x10  }
0x142: {  	v20 =	vmov s16;
	v18 =	vadd.f32 v19, v18;
	v19 =	vmul.f32 v21, v39  }
0x143: {  	v20 =	vshll.u32 v20, $0x4  }
0x144: {  	v17 =	vmul.f32 v17, v40;
	v20 =	vor.u32 v1, v20;
	v18 =	vadd.f32 v19, v18  }
0x145: {  	v19 =	vor.u32 v0, v20  }
0x146: {  	v17 =	vadd.f32 v17, v18  }
0x147: {  	s0 =	simm.s32 $0x12400  }
0x148: {  	s6 =	simm.s32 $0x12010;
	v18 =	vor.u32 v2, v20;
	[tilespmem:s0+$0x0] =	vst v17  }
0x149: {  	v17 =	vld [tilespmem:s6+$0x0]  }
0x14a: {  	v21 =	vor.u32 v3, v20;
	v22 =	vld.idx.msk [tilespmem:v19+s31+$0x0], $0xffff  }
0x14b: {  	s15 =	simm.s32 $0x11C10;
	v19 =	vld.idx.msk [tilespmem:v19+s1+$0x0], $0xffff  }
0x14c: {  	v23 =	vor.u32 v4, v20;
	v41 =	vld [tilespmem:s15+$0x0]  }
0x14d: {  	v42 =	vld.idx.msk [tilespmem:v18+s31+$0x0], $0xffff  }
0x14e: {  	v43 =	vor.u32 v5, v20;
	v18 =	vld.idx.msk [tilespmem:v18+s1+$0x0], $0xffff  }
0x14f: {  	v44 =	vld.idx.msk [tilespmem:v21+s31+$0x0], $0xffff  }
0x150: {  	v45 =	vor.u32 v6, v20;
	v21 =	vld.idx.msk [tilespmem:v21+s1+$0x0], $0xffff  }
0x151: {  	v46 =	vld.idx.msk [tilespmem:v23+s31+$0x0], $0xffff;
	v17 =	vadd.f32 v17, v41;
	v19 =	vmul.f32 v19, v22  }
0x152: {  	v22 =	vld.idx.msk [tilespmem:v23+s1+$0x0], $0xffff;
	v23 =	vor.u32 v8, v20  }
0x153: {  	v47 =	vld.idx.msk [tilespmem:v43+s31+$0x0], $0xffff;
	v17 =	vadd.f32 v19, v17;
	v18 =	vmul.f32 v18, v42  }
0x154: {  	v48 =	vor.u32 v9, v20;
	v19 =	vld.idx.msk [tilespmem:v43+s1+$0x0], $0xffff  }
0x155: {  	v49 =	vld.idx.msk [tilespmem:v45+s31+$0x0], $0xffff;
	v17 =	vadd.f32 v18, v17;
	v18 =	vmul.f32 v21, v44  }
0x156: {  	v50 =	vor.u32 v7, v20;
	v21 =	vld.idx.msk [tilespmem:v45+s1+$0x0], $0xffff  }
0x157: {  	v51 =	vld.idx.msk [tilespmem:v23+s31+$0x0], $0xffff;
	v17 =	vadd.f32 v18, v17;
	v18 =	vmul.f32 v22, v46  }
0x158: {  	v22 =	vld.idx.msk [tilespmem:v23+s1+$0x0], $0xffff;
	v23 =	vor.u32 v10, v20  }
0x159: {  	v52 =	vld.idx.msk [tilespmem:v48+s31+$0x0], $0xffff;
	v17 =	vadd.f32 v18, v17;
	v18 =	vmul.f32 v19, v47  }
0x15a: {  	v53 =	vor.u32 v11, v20;
	v19 =	vld.idx.msk [tilespmem:v48+s1+$0x0], $0xffff  }
0x15b: {  	v54 =	vld.idx.msk [tilespmem:v50+s31+$0x0], $0xffff;
	v17 =	vadd.f32 v18, v17;
	v18 =	vmul.f32 v21, v49  }
0x15c: {  	v55 =	vor.u32 v12, v20;
	v21 =	vld.idx.msk [tilespmem:v50+s1+$0x0], $0xffff  }
0x15d: {  	v56 =	vld.idx.msk [tilespmem:v23+s31+$0x0], $0xffff;
	v17 =	vadd.f32 v18, v17;
	v18 =	vmul.f32 v22, v51  }
0x15e: {  	v22 =	vld.idx.msk [tilespmem:v23+s1+$0x0], $0xffff;
	v23 =	vor.u32 v13, v20  }
0x15f: {  	v57 =	vld.idx.msk [tilespmem:v53+s31+$0x0], $0xffff;
	v17 =	vadd.f32 v18, v17;
	v18 =	vmul.f32 v19, v52  }
0x160: {  	v58 =	vor.u32 v14, v20;
	v19 =	vld.idx.msk [tilespmem:v53+s1+$0x0], $0xffff  }
0x161: {  	v59 =	vld.idx.msk [tilespmem:v55+s31+$0x0], $0xffff;
	v17 =	vadd.f32 v18, v17;
	v18 =	vmul.f32 v21, v54  }
0x162: {  	v60 =	vor.u32 v15, v20;
	v21 =	vld.idx.msk [tilespmem:v55+s1+$0x0], $0xffff  }
0x163: {  	v61 =	vld.idx.msk [tilespmem:v23+s31+$0x0], $0xffff;
	v17 =	vadd.f32 v18, v17;
	v18 =	vmul.f32 v22, v56  }
0x164: {  	v20 =	vor.u32 v16, v20;
	v22 =	vld.idx.msk [tilespmem:v23+s1+$0x0], $0xffff  }
0x165: {  	v23 =	vld.idx.msk [tilespmem:v58+s31+$0x0], $0xffff;
	v17 =	vadd.f32 v18, v17;
	v18 =	vmul.f32 v19, v57  }
0x166: {  	v19 =	vld.idx.msk [tilespmem:v58+s1+$0x0], $0xffff  }
0x167: {  	v62 =	vld.idx.msk [tilespmem:v60+s31+$0x0], $0xffff;
	v17 =	vadd.f32 v18, v17;
	v18 =	vmul.f32 v21, v59  }
0x168: {  	v21 =	vld.idx.msk [tilespmem:v60+s1+$0x0], $0xffff  }
0x169: {  	v63 =	vld.idx.msk [tilespmem:v20+s31+$0x0], $0xffff;
	v17 =	vadd.f32 v18, v17;
	v18 =	vmul.f32 v22, v61  }
0x16a: {  	v20 =	vld.idx.msk [tilespmem:v20+s1+$0x0], $0xffff  }
0x16b: {  	s16 =	simm.s32 $0x20;
	v17 =	vadd.f32 v18, v17;
	v18 =	vmul.f32 v19, v23  }
0x16c: {  	v19 =	vmov s16  }
0x16d: {  	v19 =	vshll.u32 v19, $0x4;
	v21 =	vmul.f32 v21, v62;
	v22 =	vadd.f32 v18, v17  }
0x16e: {  	v17 =	vor.u32 v1, v19  }
0x16f: {  	v20 =	vmul.f32 v20, v63;
	s16 =	simm.s32 $0x30;
	v18 =	vor.u32 v2, v17;
	v19 =	vadd.f32 v21, v22  }
.LBB2_5:
0x170: {  	p0 =	sne.s32 s16, $0x3F0  }
0x171: {  	v21 =	vor.u32 v0, v17;
	v19 =	vadd.f32 v20, v19  }
0x172: {  	s0 =	sadd.s32 $0x10, s0  }
0x173: {  	[tilespmem:s0+$0x0] =	vst v19  }
0x174: {  	s6 =	sadd.s32 $0x10, s6;
	v19 =	vld.idx.msk [tilespmem:v18+s31+$0x0], $0xffff  }
0x175: {  	v22 =	vor.u32 v3, v17;
	v20 =	vld [tilespmem:s6+$0x0]  }
0x176: {  	v23 =	vld.idx.msk [tilespmem:v21+s31+$0x0], $0xffff  }
0x177: {  	v24 =	vor.u32 v4, v17;
	s15 =	sadd.s32 $0x10, s15;
	v21 =	vld.idx.msk [tilespmem:v21+s1+$0x0], $0xffff  }
0x178: {  	v25 =	vld [tilespmem:s15+$0x0]  }
0x179: {  	v26 =	vor.u32 v5, v17;
	v18 =	vld.idx.msk [tilespmem:v18+s1+$0x0], $0xffff  }
0x17a: {  	v27 =	vld.idx.msk [tilespmem:v22+s31+$0x0], $0xffff  }
0x17b: {  	v28 =	vor.u32 v6, v17;
	v22 =	vld.idx.msk [tilespmem:v22+s1+$0x0], $0xffff  }
0x17c: {  	v29 =	vld.idx.msk [tilespmem:v24+s31+$0x0], $0xffff  }
0x17d: {  	v21 =	vmul.f32 v21, v23;
	v20 =	vadd.f32 v20, v25;
	v23 =	vld.idx.msk [tilespmem:v24+s1+$0x0], $0xffff;
	v24 =	vor.u32 v8, v17  }
0x17e: {  	v25 =	vld.idx.msk [tilespmem:v26+s31+$0x0], $0xffff  }
0x17f: {  	v18 =	vmul.f32 v18, v19;
	v20 =	vadd.f32 v21, v20;
	v19 =	vld.idx.msk [tilespmem:v26+s1+$0x0], $0xffff;
	v21 =	vor.u32 v9, v17  }
0x180: {  	v26 =	vld.idx.msk [tilespmem:v28+s31+$0x0], $0xffff  }
0x181: {  	v18 =	vadd.f32 v18, v20;
	v20 =	vmul.f32 v22, v27;
	v22 =	vld.idx.msk [tilespmem:v28+s1+$0x0], $0xffff;
	v27 =	vor.u32 v7, v17  }
0x182: {  	v28 =	vld.idx.msk [tilespmem:v24+s31+$0x0], $0xffff  }
0x183: {  	v18 =	vadd.f32 v20, v18;
	v20 =	vmul.f32 v23, v29;
	v23 =	vld.idx.msk [tilespmem:v24+s1+$0x0], $0xffff;
	v24 =	vor.u32 v10, v17  }
0x184: {  	v29 =	vld.idx.msk [tilespmem:v21+s31+$0x0], $0xffff  }
0x185: {  	v19 =	vmul.f32 v19, v25;
	v18 =	vadd.f32 v20, v18;
	v20 =	vld.idx.msk [tilespmem:v21+s1+$0x0], $0xffff;
	v21 =	vor.u32 v11, v17  }
0x186: {  	v25 =	vld.idx.msk [tilespmem:v27+s31+$0x0], $0xffff  }
0x187: {  	v18 =	vadd.f32 v19, v18;
	v19 =	vmul.f32 v22, v26;
	v22 =	vld.idx.msk [tilespmem:v27+s1+$0x0], $0xffff;
	v26 =	vor.u32 v12, v17  }
0x188: {  	v27 =	vld.idx.msk [tilespmem:v24+s31+$0x0], $0xffff  }
0x189: {  	v18 =	vadd.f32 v19, v18;
	v19 =	vmul.f32 v23, v28;
	v23 =	vld.idx.msk [tilespmem:v24+s1+$0x0], $0xffff;
	v24 =	vor.u32 v13, v17  }
0x18a: {  	v28 =	vld.idx.msk [tilespmem:v21+s31+$0x0], $0xffff  }
0x18b: {  	v18 =	vadd.f32 v19, v18;
	v19 =	vmul.f32 v20, v29;
	v20 =	vld.idx.msk [tilespmem:v21+s1+$0x0], $0xffff;
	v21 =	vor.u32 v14, v17  }
0x18c: {  	v29 =	vld.idx.msk [tilespmem:v26+s31+$0x0], $0xffff  }
0x18d: {  	v18 =	vadd.f32 v19, v18;
	v19 =	vmul.f32 v22, v25;
	v22 =	vld.idx.msk [tilespmem:v26+s1+$0x0], $0xffff;
	v25 =	vor.u32 v15, v17  }
0x18e: {  	v26 =	vld.idx.msk [tilespmem:v24+s31+$0x0], $0xffff  }
0x18f: {  	v17 =	vor.u32 v16, v17;
	v18 =	vadd.f32 v19, v18;
	v19 =	vmul.f32 v23, v27;
	v23 =	vld.idx.msk [tilespmem:v24+s1+$0x0], $0xffff  }
0x190: {  	v24 =	vld.idx.msk [tilespmem:v21+s31+$0x0], $0xffff  }
0x191: {  	v18 =	vadd.f32 v19, v18;
	v19 =	vmul.f32 v20, v28;
	v20 =	vld.idx.msk [tilespmem:v21+s1+$0x0], $0xffff  }
0x192: {  	v21 =	vld.idx.msk [tilespmem:v25+s31+$0x0], $0xffff  }
0x193: {  	v18 =	vadd.f32 v19, v18;
	v19 =	vmul.f32 v22, v29;
	v22 =	vld.idx.msk [tilespmem:v25+s1+$0x0], $0xffff  }
0x194: {  	v25 =	vld.idx.msk [tilespmem:v17+s31+$0x0], $0xffff  }
0x195: {  	v18 =	vadd.f32 v19, v18;
	v19 =	vmul.f32 v23, v26;
	v23 =	vld.idx.msk [tilespmem:v17+s1+$0x0], $0xffff;
	_ =	sdelay $0x1  }
.Ltmp1:
0x196: {  	v17 =	vadd.f32 v19, v18;
	v18 =	vmul.f32 v20, v24;
	(pc) =	sbr.rel @p0 .LBB2_5-.Ltmp1, $4  }
0x197: {  	v19 =	vmov s16  }
0x198: {  	v19 =	vshll.u32 v19, $0x4;
	v21 =	vmul.f32 v22, v21;
	v20 =	vadd.f32 v18, v17  }
0x199: {  	v17 =	vor.u32 v1, v19  }
0x19a: {  	s16 =	sadd.s32 $0x10, s16;
	v18 =	vor.u32 v2, v17;
	v19 =	vadd.f32 v21, v20;
	v20 =	vmul.f32 v23, v25  }
0x19b: {  	_ = 	snop  }
0x19c: {  	v21 =	vor.u32 v0, v17;
	v19 =	vadd.f32 v20, v19  }
0x19d: {  	s0 =	sadd.s32 $0x10, s0  }
0x19e: {  	s6 =	sadd.s32 $0x10, s6;
	[tilespmem:s0+$0x0] =	vst v19  }
0x19f: {  	s15 =	sadd.s32 $0x10, s15;
	v19 =	vld [tilespmem:s6+$0x0]  }
0x1a0: {  	v62 =	vor.u32 v3, v17;
	v24 =	vld [tilespmem:s15+$0x0]  }
0x1a1: {  	v22 =	vld.idx.msk [tilespmem:v21+s31+$0x0], $0xffff  }
0x1a2: {  	v23 =	vor.u32 v4, v17;
	v21 =	vld.idx.msk [tilespmem:v21+s1+$0x0], $0xffff  }
0x1a3: {  	v25 =	vld.idx.msk [tilespmem:v18+s31+$0x0], $0xffff  }
0x1a4: {  	v26 =	vor.u32 v5, v17;
	v18 =	vld.idx.msk [tilespmem:v18+s1+$0x0], $0xffff  }
0x1a5: {  	v27 =	vld.idx.msk [tilespmem:v62+s31+$0x0], $0xffff  }
0x1a6: {  	v28 =	vor.u32 v6, v17;
	v20 =	vld.idx.msk [tilespmem:v62+s1+$0x0], $0xffff  }
0x1a7: {  	v29 =	vld.idx.msk [tilespmem:v23+s31+$0x0], $0xffff;
	v19 =	vadd.f32 v19, v24;
	v21 =	vmul.f32 v21, v22  }
0x1a8: {  	v32 =	vor.u32 v8, v17;
	v63 =	vld.idx.msk [tilespmem:v23+s1+$0x0], $0xffff  }
0x1a9: {  	v33 =	vld.idx.msk [tilespmem:v26+s31+$0x0], $0xffff;
	v18 =	vmul.f32 v18, v25;
	v19 =	vadd.f32 v21, v19  }
0x1aa: {  	v35 =	vor.u32 v9, v17;
	v34 =	vld.idx.msk [tilespmem:v26+s1+$0x0], $0xffff  }
0x1ab: {  	v36 =	vld.idx.msk [tilespmem:v28+s31+$0x0], $0xffff;
	v18 =	vadd.f32 v18, v19;
	v19 =	vmul.f32 v20, v27  }
0x1ac: {  	v38 =	vor.u32 v7, v17;
	v37 =	vld.idx.msk [tilespmem:v28+s1+$0x0], $0xffff  }
0x1ad: {  	v39 =	vld.idx.msk [tilespmem:v32+s31+$0x0], $0xffff;
	v18 =	vadd.f32 v19, v18;
	v19 =	vmul.f32 v63, v29  }
0x1ae: {  	v41 =	vor.u32 v10, v17;
	v40 =	vld.idx.msk [tilespmem:v32+s1+$0x0], $0xffff  }
0x1af: {  	v42 =	vld.idx.msk [tilespmem:v35+s31+$0x0], $0xffff;
	v18 =	vadd.f32 v19, v18;
	v19 =	vmul.f32 v34, v33  }
0x1b0: {  	v44 =	vor.u32 v11, v17;
	v43 =	vld.idx.msk [tilespmem:v35+s1+$0x0], $0xffff  }
0x1b1: {  	v45 =	vld.idx.msk [tilespmem:v38+s31+$0x0], $0xffff;
	v18 =	vadd.f32 v19, v18;
	v19 =	vmul.f32 v37, v36  }
0x1b2: {  	v47 =	vor.u32 v12, v17;
	v46 =	vld.idx.msk [tilespmem:v38+s1+$0x0], $0xffff  }
0x1b3: {  	v48 =	vld.idx.msk [tilespmem:v41+s31+$0x0], $0xffff;
	v18 =	vadd.f32 v19, v18;
	v19 =	vmul.f32 v40, v39  }
0x1b4: {  	v50 =	vor.u32 v13, v17;
	v49 =	vld.idx.msk [tilespmem:v41+s1+$0x0], $0xffff  }
0x1b5: {  	v51 =	vld.idx.msk [tilespmem:v44+s31+$0x0], $0xffff;
	v18 =	vadd.f32 v19, v18;
	v19 =	vmul.f32 v43, v42  }
0x1b6: {  	v53 =	vor.u32 v14, v17;
	v52 =	vld.idx.msk [tilespmem:v44+s1+$0x0], $0xffff  }
0x1b7: {  	v54 =	vld.idx.msk [tilespmem:v47+s31+$0x0], $0xffff;
	v18 =	vadd.f32 v19, v18;
	v19 =	vmul.f32 v46, v45  }
0x1b8: {  	v56 =	vor.u32 v15, v17;
	v55 =	vld.idx.msk [tilespmem:v47+s1+$0x0], $0xffff  }
0x1b9: {  	v57 =	vld.idx.msk [tilespmem:v50+s31+$0x0], $0xffff;
	v18 =	vadd.f32 v19, v18;
	v19 =	vmul.f32 v49, v48  }
0x1ba: {  	v17 =	vor.u32 v16, v17;
	v58 =	vld.idx.msk [tilespmem:v50+s1+$0x0], $0xffff  }
0x1bb: {  	v59 =	vld.idx.msk [tilespmem:v53+s31+$0x0], $0xffff;
	v18 =	vadd.f32 v19, v18;
	v19 =	vmul.f32 v52, v51  }
0x1bc: {  	v60 =	vld.idx.msk [tilespmem:v53+s1+$0x0], $0xffff  }
0x1bd: {  	v61 =	vld.idx.msk [tilespmem:v56+s31+$0x0], $0xffff;
	v18 =	vadd.f32 v19, v18;
	v19 =	vmul.f32 v55, v54  }
0x1be: {  	v62 =	vld.idx.msk [tilespmem:v56+s1+$0x0], $0xffff  }
0x1bf: {  	v63 =	vld.idx.msk [tilespmem:v17+s31+$0x0], $0xffff;
	v18 =	vadd.f32 v19, v18;
	v19 =	vmul.f32 v58, v57  }
0x1c0: {  	v17 =	vld.idx.msk [tilespmem:v17+s1+$0x0], $0xffff  }
0x1c1: {  	v18 =	vadd.f32 v19, v18;
	v19 =	vmul.f32 v60, v59;
	_ =	sdelay $0x1  }
0x1c2: {  	v18 =	vadd.f32 v19, v18;
	v19 =	vmul.f32 v62, v61;
	_ =	sdelay $0x1  }
0x1c3: {  	v17 =	vmul.f32 v17, v63;
	v18 =	vadd.f32 v19, v18  }
0x1c4: {  	s16 =	rddreg [dreg:$0x7]  }
0x1c5: {  	s19 =	sadd.s32 $0x1, s19;
	s3 =	sadd.s32 s3, s16;
	s16 =	simm.s32 $0x0;
	v17 =	vadd.f32 v17, v18  }
0x1c6: {  	p0 =	sne.s32 s19, $0x4;
	s3 =	sshrl.u32 s3, $0x3;
	s0 =	sadd.s32 $0x10, s0  }
.Ltmp2:
0x1c7: {  	s6 =	sadd.s32 s10, s3;
	s15 =	simm.s32 $0x12400;
	[tilespmem:s0+$0x0] =	vst v17;
	(pc) =	sbr.rel @p0 .LBB2_2-.Ltmp2, $4  }
0x1c8: {  	[hbm4b:s6+s16] =	stream.linear.scatter [tilespmem:s15], [sflag:$0xB], $0x400, $0x38;
	[tilespmem:$0x12800] =	vst v63  }
0x1c9: {  	_ =	swait.ge [sflag:s20], $0x400  }
0x1ca: {  	[sflag:s20] =	ssyncset.done $0x0  }
0x1cb: {  	[sflag:s20] =	ssyncadd.s32 $0xFFFFFC00  }
0x1cc: {  	_ =	swait.ge [sflag:s30], $0x400  }
0x1cd: {  	[sflag:s30] =	ssyncset.done $0x0  }
0x1ce: {  	[sflag:s30] =	ssyncadd.s32 $0xFFFFFC00  }
0x1cf: {  	_ =	swait.ge [sflag:s30], $0x400  }
0x1d0: {  	[sflag:s30] =	ssyncset.done $0x0  }
0x1d1: {  	[sflag:s30] =	ssyncadd.s32 $0xFFFFFC00  }
0x1d2: {  	[tilespmem:s31], [sflag:$0x7] =	stream.indirect.gather [hbm4b:s5+s21], $0x10, s28, s21, $0xb8;
	[tilespmem:$0x12800] =	vst v63  }
0x1d3: {  	_ = 	snop  }
0x1d4: {  	[tilespmem:s1], [sflag:$0x8] =	stream.indirect.gather [hbm4b:s7+s21], $0x10, s29, s21, $0xb8;
	[tilespmem:$0x12800] =	vst v63  }
0x1d5: {  	s0 =	simm.s32 $0x11C00  }
0x1d6: {  	[tilespmem:s0], [sflag:$0x9] =	stream.indirect.gather [hbm4b:s8+s21], $0x1, s28, s21, $0xb8;
	[tilespmem:$0x12800] =	vst v63  }
0x1d7: {  	s19 =	simm.s32 $0x12000  }
0x1d8: {  	[tilespmem:s19], [sflag:$0xA] =	stream.indirect.gather [hbm4b:s9+s21], $0x1, s29, s21, $0xb8;
	[tilespmem:$0x12800] =	vst v63  }
0x1d9: {  	_ =	swait.ge [sflag:s12], $0x4000  }
0x1da: {  	[sflag:s12] =	ssyncset.done $0x0  }
0x1db: {  	[sflag:s12] =	ssyncadd.s32 $0xFFFFC000  }
0x1dc: {  	_ =	swait.ge [sflag:s13], $0x4000  }
0x1dd: {  	s3 =	simm.s32 $0x0;
	[sflag:s13] =	ssyncset.done $0x0  }
0x1de: {  	v17 =	vmov s3;
	[sflag:s13] =	ssyncadd.s32 $0xFFFFC000  }
0x1df: {  	v17 =	vshll.u32 v17, $0x4;
	_ =	swait.ge [sflag:s14], $0x400  }
0x1e0: {  	v17 =	vor.u32 v1, v17;
	[sflag:s14] =	ssyncset.done $0x0  }
0x1e1: {  	v18 =	vor.u32 v0, v17;
	[sflag:s14] =	ssyncadd.s32 $0xFFFFFC00  }
0x1e2: {  	_ =	swait.ge [sflag:s18], $0x400  }
0x1e3: {  	[sflag:s18] =	ssyncset.done $0x0  }
0x1e4: {  	s6 =	simm.s32 $0x8C00;
	v19 =	vor.u32 v2, v17;
	[sflag:s18] =	ssyncadd.s32 $0xFFFFFC00  }
0x1e5: {  	v20 =	vld [tilespmem:s6+$0x0]  }
0x1e6: {  	v21 =	vor.u32 v3, v17;
	v22 =	vld.idx.msk [tilespmem:v18+s23+$0x0], $0xffff  }
0x1e7: {  	s15 =	simm.s32 $0x8800;
	v18 =	vld.idx.msk [tilespmem:v18+s24+$0x0], $0xffff  }
0x1e8: {  	v23 =	vor.u32 v4, v17;
	v24 =	vld [tilespmem:s15+$0x0]  }
0x1e9: {  	v25 =	vld.idx.msk [tilespmem:v19+s23+$0x0], $0xffff  }
0x1ea: {  	v26 =	vor.u32 v5, v17;
	v19 =	vld.idx.msk [tilespmem:v19+s24+$0x0], $0xffff  }
0x1eb: {  	v27 =	vld.idx.msk [tilespmem:v21+s23+$0x0], $0xffff  }
0x1ec: {  	v28 =	vor.u32 v6, v17;
	v21 =	vld.idx.msk [tilespmem:v21+s24+$0x0], $0xffff  }
0x1ed: {  	v29 =	vld.idx.msk [tilespmem:v23+s23+$0x0], $0xffff;
	v20 =	vadd.f32 v20, v24;
	v18 =	vmul.f32 v18, v22  }
0x1ee: {  	v22 =	vld.idx.msk [tilespmem:v23+s24+$0x0], $0xffff;
	v23 =	vor.u32 v8, v17  }
0x1ef: {  	v56 =	vld.idx.msk [tilespmem:v26+s23+$0x0], $0xffff;
	v19 =	vmul.f32 v19, v25;
	v18 =	vadd.f32 v18, v20  }
0x1f0: {  	v57 =	vor.u32 v9, v17;
	v20 =	vld.idx.msk [tilespmem:v26+s24+$0x0], $0xffff  }
0x1f1: {  	v58 =	vld.idx.msk [tilespmem:v28+s23+$0x0], $0xffff;
	v18 =	vadd.f32 v19, v18;
	v19 =	vmul.f32 v21, v27  }
0x1f2: {  	v59 =	vor.u32 v7, v17;
	v21 =	vld.idx.msk [tilespmem:v28+s24+$0x0], $0xffff  }
0x1f3: {  	v60 =	vld.idx.msk [tilespmem:v23+s23+$0x0], $0xffff;
	v18 =	vadd.f32 v19, v18;
	v19 =	vmul.f32 v22, v29  }
0x1f4: {  	v22 =	vld.idx.msk [tilespmem:v23+s24+$0x0], $0xffff;
	v23 =	vor.u32 v10, v17  }
0x1f5: {  	v61 =	vld.idx.msk [tilespmem:v57+s23+$0x0], $0xffff;
	v18 =	vadd.f32 v19, v18;
	v19 =	vmul.f32 v20, v56  }
0x1f6: {  	v62 =	vor.u32 v11, v17;
	v20 =	vld.idx.msk [tilespmem:v57+s24+$0x0], $0xffff  }
0x1f7: {  	v63 =	vld.idx.msk [tilespmem:v59+s23+$0x0], $0xffff;
	v18 =	vadd.f32 v19, v18;
	v19 =	vmul.f32 v21, v58  }
0x1f8: {  	v32 =	vor.u32 v12, v17;
	v21 =	vld.idx.msk [tilespmem:v59+s24+$0x0], $0xffff  }
0x1f9: {  	v33 =	vld.idx.msk [tilespmem:v23+s23+$0x0], $0xffff;
	v18 =	vadd.f32 v19, v18;
	v19 =	vmul.f32 v22, v60  }
0x1fa: {  	v22 =	vld.idx.msk [tilespmem:v23+s24+$0x0], $0xffff;
	v23 =	vor.u32 v13, v17  }
0x1fb: {  	v34 =	vld.idx.msk [tilespmem:v62+s23+$0x0], $0xffff;
	v18 =	vadd.f32 v19, v18;
	v19 =	vmul.f32 v20, v61  }
0x1fc: {  	v35 =	vor.u32 v14, v17;
	v20 =	vld.idx.msk [tilespmem:v62+s24+$0x0], $0xffff  }
0x1fd: {  	v36 =	vld.idx.msk [tilespmem:v32+s23+$0x0], $0xffff;
	v18 =	vadd.f32 v19, v18;
	v19 =	vmul.f32 v21, v63  }
0x1fe: {  	v37 =	vor.u32 v15, v17;
	v21 =	vld.idx.msk [tilespmem:v32+s24+$0x0], $0xffff  }
0x1ff: {  	v38 =	vld.idx.msk [tilespmem:v23+s23+$0x0], $0xffff;
	v18 =	vadd.f32 v19, v18;
	v19 =	vmul.f32 v22, v33  }
0x200: {  	v17 =	vor.u32 v16, v17;
	v22 =	vld.idx.msk [tilespmem:v23+s24+$0x0], $0xffff  }
0x201: {  	v23 =	vld.idx.msk [tilespmem:v35+s23+$0x0], $0xffff;
	v18 =	vadd.f32 v19, v18;
	v19 =	vmul.f32 v20, v34  }
0x202: {  	v20 =	vld.idx.msk [tilespmem:v35+s24+$0x0], $0xffff  }
0x203: {  	v39 =	vld.idx.msk [tilespmem:v37+s23+$0x0], $0xffff;
	v18 =	vadd.f32 v19, v18;
	v19 =	vmul.f32 v21, v36  }
0x204: {  	v21 =	vld.idx.msk [tilespmem:v37+s24+$0x0], $0xffff  }
0x205: {  	v40 =	vld.idx.msk [tilespmem:v17+s23+$0x0], $0xffff;
	v18 =	vadd.f32 v19, v18;
	v19 =	vmul.f32 v22, v38  }
0x206: {  	v17 =	vld.idx.msk [tilespmem:v17+s24+$0x0], $0xffff  }
0x207: {  	v18 =	vadd.f32 v19, v18;
	v19 =	vmul.f32 v20, v23  }
0x208: {  	s19 =	simm.s32 $0x10  }
0x209: {  	v20 =	vmov s19;
	v18 =	vadd.f32 v19, v18;
	v19 =	vmul.f32 v21, v39  }
0x20a: {  	v20 =	vshll.u32 v20, $0x4  }
0x20b: {  	v17 =	vmul.f32 v17, v40;
	v20 =	vor.u32 v1, v20;
	v18 =	vadd.f32 v19, v18  }
0x20c: {  	v19 =	vor.u32 v0, v20  }
0x20d: {  	v17 =	vadd.f32 v17, v18  }
0x20e: {  	s0 =	simm.s32 $0x9000  }
0x20f: {  	s3 =	simm.s32 $0x8C10;
	v18 =	vor.u32 v2, v20;
	[tilespmem:s0+$0x0] =	vst v17  }
0x210: {  	v17 =	vld [tilespmem:s3+$0x0]  }
0x211: {  	v21 =	vor.u32 v3, v20;
	v22 =	vld.idx.msk [tilespmem:v19+s23+$0x0], $0xffff  }
0x212: {  	s6 =	simm.s32 $0x8810;
	v19 =	vld.idx.msk [tilespmem:v19+s24+$0x0], $0xffff  }
0x213: {  	v23 =	vor.u32 v4, v20;
	v41 =	vld [tilespmem:s6+$0x0]  }
0x214: {  	v42 =	vld.idx.msk [tilespmem:v18+s23+$0x0], $0xffff  }
0x215: {  	v43 =	vor.u32 v5, v20;
	v18 =	vld.idx.msk [tilespmem:v18+s24+$0x0], $0xffff  }
0x216: {  	v44 =	vld.idx.msk [tilespmem:v21+s23+$0x0], $0xffff  }
0x217: {  	v45 =	vor.u32 v6, v20;
	v21 =	vld.idx.msk [tilespmem:v21+s24+$0x0], $0xffff  }
0x218: {  	v46 =	vld.idx.msk [tilespmem:v23+s23+$0x0], $0xffff;
	v17 =	vadd.f32 v17, v41;
	v19 =	vmul.f32 v19, v22  }
0x219: {  	v22 =	vld.idx.msk [tilespmem:v23+s24+$0x0], $0xffff;
	v23 =	vor.u32 v8, v20  }
0x21a: {  	v47 =	vld.idx.msk [tilespmem:v43+s23+$0x0], $0xffff;
	v17 =	vadd.f32 v19, v17;
	v18 =	vmul.f32 v18, v42  }
0x21b: {  	v48 =	vor.u32 v9, v20;
	v19 =	vld.idx.msk [tilespmem:v43+s24+$0x0], $0xffff  }
0x21c: {  	v49 =	vld.idx.msk [tilespmem:v45+s23+$0x0], $0xffff;
	v17 =	vadd.f32 v18, v17;
	v18 =	vmul.f32 v21, v44  }
0x21d: {  	v50 =	vor.u32 v7, v20;
	v21 =	vld.idx.msk [tilespmem:v45+s24+$0x0], $0xffff  }
0x21e: {  	v51 =	vld.idx.msk [tilespmem:v23+s23+$0x0], $0xffff;
	v17 =	vadd.f32 v18, v17;
	v18 =	vmul.f32 v22, v46  }
0x21f: {  	v22 =	vld.idx.msk [tilespmem:v23+s24+$0x0], $0xffff;
	v23 =	vor.u32 v10, v20  }
0x220: {  	v52 =	vld.idx.msk [tilespmem:v48+s23+$0x0], $0xffff;
	v17 =	vadd.f32 v18, v17;
	v18 =	vmul.f32 v19, v47  }
0x221: {  	v53 =	vor.u32 v11, v20;
	v19 =	vld.idx.msk [tilespmem:v48+s24+$0x0], $0xffff  }
0x222: {  	v54 =	vld.idx.msk [tilespmem:v50+s23+$0x0], $0xffff;
	v17 =	vadd.f32 v18, v17;
	v18 =	vmul.f32 v21, v49  }
0x223: {  	v55 =	vor.u32 v12, v20;
	v21 =	vld.idx.msk [tilespmem:v50+s24+$0x0], $0xffff  }
0x224: {  	v56 =	vld.idx.msk [tilespmem:v23+s23+$0x0], $0xffff;
	v17 =	vadd.f32 v18, v17;
	v18 =	vmul.f32 v22, v51  }
0x225: {  	v22 =	vld.idx.msk [tilespmem:v23+s24+$0x0], $0xffff;
	v23 =	vor.u32 v13, v20  }
0x226: {  	v57 =	vld.idx.msk [tilespmem:v53+s23+$0x0], $0xffff;
	v17 =	vadd.f32 v18, v17;
	v18 =	vmul.f32 v19, v52  }
0x227: {  	v58 =	vor.u32 v14, v20;
	v19 =	vld.idx.msk [tilespmem:v53+s24+$0x0], $0xffff  }
0x228: {  	v59 =	vld.idx.msk [tilespmem:v55+s23+$0x0], $0xffff;
	v17 =	vadd.f32 v18, v17;
	v18 =	vmul.f32 v21, v54  }
0x229: {  	v60 =	vor.u32 v15, v20;
	v21 =	vld.idx.msk [tilespmem:v55+s24+$0x0], $0xffff  }
0x22a: {  	v61 =	vld.idx.msk [tilespmem:v23+s23+$0x0], $0xffff;
	v17 =	vadd.f32 v18, v17;
	v18 =	vmul.f32 v22, v56  }
0x22b: {  	v20 =	vor.u32 v16, v20;
	v22 =	vld.idx.msk [tilespmem:v23+s24+$0x0], $0xffff  }
0x22c: {  	v23 =	vld.idx.msk [tilespmem:v58+s23+$0x0], $0xffff;
	v17 =	vadd.f32 v18, v17;
	v18 =	vmul.f32 v19, v57  }
0x22d: {  	v19 =	vld.idx.msk [tilespmem:v58+s24+$0x0], $0xffff  }
0x22e: {  	v62 =	vld.idx.msk [tilespmem:v60+s23+$0x0], $0xffff;
	v17 =	vadd.f32 v18, v17;
	v18 =	vmul.f32 v21, v59  }
0x22f: {  	v21 =	vld.idx.msk [tilespmem:v60+s24+$0x0], $0xffff  }
0x230: {  	v63 =	vld.idx.msk [tilespmem:v20+s23+$0x0], $0xffff;
	v17 =	vadd.f32 v18, v17;
	v18 =	vmul.f32 v22, v61  }
0x231: {  	v20 =	vld.idx.msk [tilespmem:v20+s24+$0x0], $0xffff  }
0x232: {  	s15 =	simm.s32 $0x20;
	v17 =	vadd.f32 v18, v17;
	v18 =	vmul.f32 v19, v23  }
0x233: {  	v19 =	vmov s15  }
0x234: {  	v19 =	vshll.u32 v19, $0x4;
	v21 =	vmul.f32 v21, v62;
	v22 =	vadd.f32 v18, v17  }
0x235: {  	v17 =	vor.u32 v1, v19  }
0x236: {  	v20 =	vmul.f32 v20, v63;
	s15 =	simm.s32 $0x30;
	v18 =	vor.u32 v2, v17;
	v19 =	vadd.f32 v21, v22  }
.LBB2_8:
0x237: {  	p0 =	sne.s32 s15, $0x3F0  }
0x238: {  	v21 =	vor.u32 v0, v17;
	v19 =	vadd.f32 v20, v19  }
0x239: {  	s0 =	sadd.s32 $0x10, s0  }
0x23a: {  	[tilespmem:s0+$0x0] =	vst v19  }
0x23b: {  	s3 =	sadd.s32 $0x10, s3;
	v19 =	vld.idx.msk [tilespmem:v18+s23+$0x0], $0xffff  }
0x23c: {  	v22 =	vor.u32 v3, v17;
	v20 =	vld [tilespmem:s3+$0x0]  }
0x23d: {  	v23 =	vld.idx.msk [tilespmem:v21+s23+$0x0], $0xffff  }
0x23e: {  	v24 =	vor.u32 v4, v17;
	s6 =	sadd.s32 $0x10, s6;
	v21 =	vld.idx.msk [tilespmem:v21+s24+$0x0], $0xffff  }
0x23f: {  	v25 =	vld [tilespmem:s6+$0x0]  }
0x240: {  	v26 =	vor.u32 v5, v17;
	v18 =	vld.idx.msk [tilespmem:v18+s24+$0x0], $0xffff  }
0x241: {  	v27 =	vld.idx.msk [tilespmem:v22+s23+$0x0], $0xffff  }
0x242: {  	v28 =	vor.u32 v6, v17;
	v22 =	vld.idx.msk [tilespmem:v22+s24+$0x0], $0xffff  }
0x243: {  	v29 =	vld.idx.msk [tilespmem:v24+s23+$0x0], $0xffff  }
0x244: {  	v21 =	vmul.f32 v21, v23;
	v20 =	vadd.f32 v20, v25;
	v23 =	vld.idx.msk [tilespmem:v24+s24+$0x0], $0xffff;
	v24 =	vor.u32 v8, v17  }
0x245: {  	v25 =	vld.idx.msk [tilespmem:v26+s23+$0x0], $0xffff  }
0x246: {  	v18 =	vmul.f32 v18, v19;
	v20 =	vadd.f32 v21, v20;
	v19 =	vld.idx.msk [tilespmem:v26+s24+$0x0], $0xffff;
	v21 =	vor.u32 v9, v17  }
0x247: {  	v26 =	vld.idx.msk [tilespmem:v28+s23+$0x0], $0xffff  }
0x248: {  	v18 =	vadd.f32 v18, v20;
	v20 =	vmul.f32 v22, v27;
	v22 =	vld.idx.msk [tilespmem:v28+s24+$0x0], $0xffff;
	v27 =	vor.u32 v7, v17  }
0x249: {  	v28 =	vld.idx.msk [tilespmem:v24+s23+$0x0], $0xffff  }
0x24a: {  	v18 =	vadd.f32 v20, v18;
	v20 =	vmul.f32 v23, v29;
	v23 =	vld.idx.msk [tilespmem:v24+s24+$0x0], $0xffff;
	v24 =	vor.u32 v10, v17  }
0x24b: {  	v29 =	vld.idx.msk [tilespmem:v21+s23+$0x0], $0xffff  }
0x24c: {  	v19 =	vmul.f32 v19, v25;
	v18 =	vadd.f32 v20, v18;
	v20 =	vld.idx.msk [tilespmem:v21+s24+$0x0], $0xffff;
	v21 =	vor.u32 v11, v17  }
0x24d: {  	v25 =	vld.idx.msk [tilespmem:v27+s23+$0x0], $0xffff  }
0x24e: {  	v18 =	vadd.f32 v19, v18;
	v19 =	vmul.f32 v22, v26;
	v22 =	vld.idx.msk [tilespmem:v27+s24+$0x0], $0xffff;
	v26 =	vor.u32 v12, v17  }
0x24f: {  	v27 =	vld.idx.msk [tilespmem:v24+s23+$0x0], $0xffff  }
0x250: {  	v18 =	vadd.f32 v19, v18;
	v19 =	vmul.f32 v23, v28;
	v23 =	vld.idx.msk [tilespmem:v24+s24+$0x0], $0xffff;
	v24 =	vor.u32 v13, v17  }
0x251: {  	v28 =	vld.idx.msk [tilespmem:v21+s23+$0x0], $0xffff  }
0x252: {  	v18 =	vadd.f32 v19, v18;
	v19 =	vmul.f32 v20, v29;
	v20 =	vld.idx.msk [tilespmem:v21+s24+$0x0], $0xffff;
	v21 =	vor.u32 v14, v17  }
0x253: {  	v29 =	vld.idx.msk [tilespmem:v26+s23+$0x0], $0xffff  }
0x254: {  	v18 =	vadd.f32 v19, v18;
	v19 =	vmul.f32 v22, v25;
	v22 =	vld.idx.msk [tilespmem:v26+s24+$0x0], $0xffff;
	v25 =	vor.u32 v15, v17  }
0x255: {  	v26 =	vld.idx.msk [tilespmem:v24+s23+$0x0], $0xffff  }
0x256: {  	v17 =	vor.u32 v16, v17;
	v18 =	vadd.f32 v19, v18;
	v19 =	vmul.f32 v23, v27;
	v23 =	vld.idx.msk [tilespmem:v24+s24+$0x0], $0xffff  }
0x257: {  	v24 =	vld.idx.msk [tilespmem:v21+s23+$0x0], $0xffff  }
0x258: {  	v18 =	vadd.f32 v19, v18;
	v19 =	vmul.f32 v20, v28;
	v20 =	vld.idx.msk [tilespmem:v21+s24+$0x0], $0xffff  }
0x259: {  	v21 =	vld.idx.msk [tilespmem:v25+s23+$0x0], $0xffff  }
0x25a: {  	v18 =	vadd.f32 v19, v18;
	v19 =	vmul.f32 v22, v29;
	v22 =	vld.idx.msk [tilespmem:v25+s24+$0x0], $0xffff  }
0x25b: {  	v25 =	vld.idx.msk [tilespmem:v17+s23+$0x0], $0xffff  }
0x25c: {  	v18 =	vadd.f32 v19, v18;
	v19 =	vmul.f32 v23, v26;
	v23 =	vld.idx.msk [tilespmem:v17+s24+$0x0], $0xffff;
	_ =	sdelay $0x1  }
.Ltmp3:
0x25d: {  	v17 =	vadd.f32 v19, v18;
	v18 =	vmul.f32 v20, v24;
	(pc) =	sbr.rel @p0 .LBB2_8-.Ltmp3, $4  }
0x25e: {  	v19 =	vmov s15  }
0x25f: {  	v19 =	vshll.u32 v19, $0x4;
	v21 =	vmul.f32 v22, v21;
	v20 =	vadd.f32 v18, v17  }
0x260: {  	v17 =	vor.u32 v1, v19  }
0x261: {  	s15 =	sadd.s32 $0x10, s15;
	v18 =	vor.u32 v2, v17;
	v19 =	vadd.f32 v21, v20;
	v20 =	vmul.f32 v23, v25  }
0x262: {  	_ = 	snop  }
0x263: {  	v21 =	vor.u32 v0, v17;
	v19 =	vadd.f32 v20, v19  }
0x264: {  	s0 =	sadd.s32 $0x10, s0  }
0x265: {  	s3 =	sadd.s32 $0x10, s3;
	[tilespmem:s0+$0x0] =	vst v19  }
0x266: {  	s6 =	sadd.s32 $0x10, s6;
	v19 =	vld [tilespmem:s3+$0x0]  }
0x267: {  	v20 =	vor.u32 v3, v17;
	v24 =	vld [tilespmem:s6+$0x0]  }
0x268: {  	v22 =	vld.idx.msk [tilespmem:v21+s23+$0x0], $0xffff  }
0x269: {  	v23 =	vor.u32 v4, v17;
	v21 =	vld.idx.msk [tilespmem:v21+s24+$0x0], $0xffff  }
0x26a: {  	v25 =	vld.idx.msk [tilespmem:v18+s23+$0x0], $0xffff  }
0x26b: {  	v26 =	vor.u32 v5, v17;
	v18 =	vld.idx.msk [tilespmem:v18+s24+$0x0], $0xffff  }
0x26c: {  	v27 =	vld.idx.msk [tilespmem:v20+s23+$0x0], $0xffff  }
0x26d: {  	v28 =	vor.u32 v6, v17;
	v20 =	vld.idx.msk [tilespmem:v20+s24+$0x0], $0xffff  }
0x26e: {  	v29 =	vld.idx.msk [tilespmem:v23+s23+$0x0], $0xffff;
	v19 =	vadd.f32 v19, v24;
	v21 =	vmul.f32 v21, v22  }
0x26f: {  	v22 =	vld.idx.msk [tilespmem:v23+s24+$0x0], $0xffff;
	v23 =	vor.u32 v8, v17  }
0x270: {  	v33 =	vld.idx.msk [tilespmem:v26+s23+$0x0], $0xffff;
	v18 =	vmul.f32 v18, v25;
	v19 =	vadd.f32 v21, v19  }
0x271: {  	v34 =	vor.u32 v9, v17;
	v21 =	vld.idx.msk [tilespmem:v26+s24+$0x0], $0xffff  }
0x272: {  	v35 =	vld.idx.msk [tilespmem:v28+s23+$0x0], $0xffff;
	v18 =	vadd.f32 v18, v19;
	v19 =	vmul.f32 v20, v27  }
0x273: {  	v36 =	vor.u32 v7, v17;
	v20 =	vld.idx.msk [tilespmem:v28+s24+$0x0], $0xffff  }
0x274: {  	v37 =	vld.idx.msk [tilespmem:v23+s23+$0x0], $0xffff;
	v18 =	vadd.f32 v19, v18;
	v19 =	vmul.f32 v22, v29  }
0x275: {  	v22 =	vld.idx.msk [tilespmem:v23+s24+$0x0], $0xffff;
	v23 =	vor.u32 v10, v17  }
0x276: {  	v38 =	vld.idx.msk [tilespmem:v34+s23+$0x0], $0xffff;
	v18 =	vadd.f32 v19, v18;
	v19 =	vmul.f32 v21, v33  }
0x277: {  	v39 =	vor.u32 v11, v17;
	v21 =	vld.idx.msk [tilespmem:v34+s24+$0x0], $0xffff  }
0x278: {  	v40 =	vld.idx.msk [tilespmem:v36+s23+$0x0], $0xffff;
	v18 =	vadd.f32 v19, v18;
	v19 =	vmul.f32 v20, v35  }
0x279: {  	v41 =	vor.u32 v12, v17;
	v20 =	vld.idx.msk [tilespmem:v36+s24+$0x0], $0xffff  }
0x27a: {  	v42 =	vld.idx.msk [tilespmem:v23+s23+$0x0], $0xffff;
	v18 =	vadd.f32 v19, v18;
	v19 =	vmul.f32 v22, v37  }
0x27b: {  	v22 =	vld.idx.msk [tilespmem:v23+s24+$0x0], $0xffff;
	v23 =	vor.u32 v13, v17  }
0x27c: {  	v43 =	vld.idx.msk [tilespmem:v39+s23+$0x0], $0xffff;
	v18 =	vadd.f32 v19, v18;
	v19 =	vmul.f32 v21, v38  }
0x27d: {  	v44 =	vor.u32 v14, v17;
	v21 =	vld.idx.msk [tilespmem:v39+s24+$0x0], $0xffff  }
0x27e: {  	v45 =	vld.idx.msk [tilespmem:v41+s23+$0x0], $0xffff;
	v18 =	vadd.f32 v19, v18;
	v19 =	vmul.f32 v20, v40  }
0x27f: {  	v46 =	vor.u32 v15, v17;
	v20 =	vld.idx.msk [tilespmem:v41+s24+$0x0], $0xffff  }
0x280: {  	v47 =	vld.idx.msk [tilespmem:v23+s23+$0x0], $0xffff;
	v18 =	vadd.f32 v19, v18;
	v19 =	vmul.f32 v22, v42  }
0x281: {  	v17 =	vor.u32 v16, v17;
	v22 =	vld.idx.msk [tilespmem:v23+s24+$0x0], $0xffff  }
0x282: {  	v23 =	vld.idx.msk [tilespmem:v44+s23+$0x0], $0xffff;
	v18 =	vadd.f32 v19, v18;
	v19 =	vmul.f32 v21, v43  }
0x283: {  	v21 =	vld.idx.msk [tilespmem:v44+s24+$0x0], $0xffff  }
0x284: {  	v48 =	vld.idx.msk [tilespmem:v46+s23+$0x0], $0xffff;
	v18 =	vadd.f32 v19, v18;
	v19 =	vmul.f32 v20, v45  }
0x285: {  	v20 =	vld.idx.msk [tilespmem:v46+s24+$0x0], $0xffff  }
0x286: {  	v49 =	vld.idx.msk [tilespmem:v17+s23+$0x0], $0xffff;
	v18 =	vadd.f32 v19, v18;
	v19 =	vmul.f32 v22, v47  }
0x287: {  	v17 =	vld.idx.msk [tilespmem:v17+s24+$0x0], $0xffff  }
0x288: {  	v18 =	vadd.f32 v19, v18;
	v19 =	vmul.f32 v21, v23;
	_ =	sdelay $0x1  }
0x289: {  	v18 =	vadd.f32 v19, v18;
	v19 =	vmul.f32 v20, v48;
	_ =	sdelay $0x1  }
0x28a: {  	v17 =	vmul.f32 v17, v49;
	v18 =	vadd.f32 v19, v18;
	_ =	sdelay $0x1  }
0x28b: {  	v17 =	vadd.f32 v17, v18  }
0x28c: {  	s0 =	sadd.s32 $0x10, s0  }
0x28d: {  	s15 =	rddreg [dreg:$0xa];
	s19 =	simm.s32 $0x9000;
	[tilespmem:s0+$0x0] =	vst v17;
	s0 =	simm.s32 $0x0  }
0x28e: {  	[hbm4b:s15+s0] =	stream.linear.scatter [tilespmem:s19], [sflag:$0xB], $0x400, $0x38;
	[tilespmem:$0x12800] =	vst v63  }
0x28f: {  	_ =	swait.ge [sflag:s20], $0x400  }
0x290: {  	[sflag:s20] =	ssyncset.done $0x0  }
0x291: {  	[sflag:s20] =	ssyncadd.s32 $0xFFFFFC00  }
0x292: {  	_ =	swait.ge [sflag:s25], $0x4000  }
0x293: {  	[sflag:s25] =	ssyncset.done $0x0  }
0x294: {  	[sflag:s25] =	ssyncadd.s32 $0xFFFFC000  }
0x295: {  	_ =	swait.ge [sflag:s26], $0x4000  }
0x296: {  	[sflag:s26] =	ssyncset.done $0x0  }
0x297: {  	v17 =	vmov s0;
	[sflag:s26] =	ssyncadd.s32 $0xFFFFC000  }
0x298: {  	v17 =	vshll.u32 v17, $0x4;
	_ =	swait.ge [sflag:s2], $0x400  }
0x299: {  	v17 =	vor.u32 v1, v17;
	[sflag:s2] =	ssyncset.done $0x0  }
0x29a: {  	v18 =	vor.u32 v0, v17;
	[sflag:s2] =	ssyncadd.s32 $0xFFFFFC00  }
0x29b: {  	_ =	swait.ge [sflag:s11], $0x400  }
0x29c: {  	[sflag:s11] =	ssyncset.done $0x0  }
0x29d: {  	s6 =	simm.s32 $0x12000;
	v19 =	vor.u32 v2, v17;
	[sflag:s11] =	ssyncadd.s32 $0xFFFFFC00  }
0x29e: {  	v20 =	vld [tilespmem:s6+$0x0]  }
0x29f: {  	v21 =	vor.u32 v3, v17;
	v22 =	vld.idx.msk [tilespmem:v18+s31+$0x0], $0xffff  }
0x2a0: {  	s15 =	simm.s32 $0x11C00;
	v18 =	vld.idx.msk [tilespmem:v18+s1+$0x0], $0xffff  }
0x2a1: {  	v23 =	vor.u32 v4, v17;
	v50 =	vld [tilespmem:s15+$0x0]  }
0x2a2: {  	v51 =	vld.idx.msk [tilespmem:v19+s31+$0x0], $0xffff  }
0x2a3: {  	v52 =	vor.u32 v5, v17;
	v19 =	vld.idx.msk [tilespmem:v19+s1+$0x0], $0xffff  }
0x2a4: {  	v53 =	vld.idx.msk [tilespmem:v21+s31+$0x0], $0xffff  }
0x2a5: {  	v54 =	vor.u32 v6, v17;
	v21 =	vld.idx.msk [tilespmem:v21+s1+$0x0], $0xffff  }
0x2a6: {  	v55 =	vld.idx.msk [tilespmem:v23+s31+$0x0], $0xffff;
	v20 =	vadd.f32 v20, v50;
	v18 =	vmul.f32 v18, v22  }
0x2a7: {  	v22 =	vld.idx.msk [tilespmem:v23+s1+$0x0], $0xffff;
	v23 =	vor.u32 v8, v17  }
0x2a8: {  	v56 =	vld.idx.msk [tilespmem:v52+s31+$0x0], $0xffff;
	v19 =	vmul.f32 v19, v51;
	v18 =	vadd.f32 v18, v20  }
0x2a9: {  	v57 =	vor.u32 v9, v17;
	v20 =	vld.idx.msk [tilespmem:v52+s1+$0x0], $0xffff  }
0x2aa: {  	v58 =	vld.idx.msk [tilespmem:v54+s31+$0x0], $0xffff;
	v18 =	vadd.f32 v19, v18;
	v19 =	vmul.f32 v21, v53  }
0x2ab: {  	v59 =	vor.u32 v7, v17;
	v21 =	vld.idx.msk [tilespmem:v54+s1+$0x0], $0xffff  }
0x2ac: {  	v60 =	vld.idx.msk [tilespmem:v23+s31+$0x0], $0xffff;
	v18 =	vadd.f32 v19, v18;
	v19 =	vmul.f32 v22, v55  }
0x2ad: {  	v22 =	vld.idx.msk [tilespmem:v23+s1+$0x0], $0xffff;
	v23 =	vor.u32 v10, v17  }
0x2ae: {  	v61 =	vld.idx.msk [tilespmem:v57+s31+$0x0], $0xffff;
	v18 =	vadd.f32 v19, v18;
	v19 =	vmul.f32 v20, v56  }
0x2af: {  	v62 =	vor.u32 v11, v17;
	v20 =	vld.idx.msk [tilespmem:v57+s1+$0x0], $0xffff  }
0x2b0: {  	v63 =	vld.idx.msk [tilespmem:v59+s31+$0x0], $0xffff;
	v18 =	vadd.f32 v19, v18;
	v19 =	vmul.f32 v21, v58  }
0x2b1: {  	v32 =	vor.u32 v12, v17;
	v21 =	vld.idx.msk [tilespmem:v59+s1+$0x0], $0xffff  }
0x2b2: {  	v33 =	vld.idx.msk [tilespmem:v23+s31+$0x0], $0xffff;
	v18 =	vadd.f32 v19, v18;
	v19 =	vmul.f32 v22, v60  }
0x2b3: {  	v22 =	vld.idx.msk [tilespmem:v23+s1+$0x0], $0xffff;
	v23 =	vor.u32 v13, v17  }
0x2b4: {  	v34 =	vld.idx.msk [tilespmem:v62+s31+$0x0], $0xffff;
	v18 =	vadd.f32 v19, v18;
	v19 =	vmul.f32 v20, v61  }
0x2b5: {  	v35 =	vor.u32 v14, v17;
	v20 =	vld.idx.msk [tilespmem:v62+s1+$0x0], $0xffff  }
0x2b6: {  	v36 =	vld.idx.msk [tilespmem:v32+s31+$0x0], $0xffff;
	v18 =	vadd.f32 v19, v18;
	v19 =	vmul.f32 v21, v63  }
0x2b7: {  	v37 =	vor.u32 v15, v17;
	v21 =	vld.idx.msk [tilespmem:v32+s1+$0x0], $0xffff  }
0x2b8: {  	v38 =	vld.idx.msk [tilespmem:v23+s31+$0x0], $0xffff;
	v18 =	vadd.f32 v19, v18;
	v19 =	vmul.f32 v22, v33  }
0x2b9: {  	v17 =	vor.u32 v16, v17;
	v22 =	vld.idx.msk [tilespmem:v23+s1+$0x0], $0xffff  }
0x2ba: {  	v23 =	vld.idx.msk [tilespmem:v35+s31+$0x0], $0xffff;
	v18 =	vadd.f32 v19, v18;
	v19 =	vmul.f32 v20, v34  }
0x2bb: {  	v20 =	vld.idx.msk [tilespmem:v35+s1+$0x0], $0xffff  }
0x2bc: {  	v39 =	vld.idx.msk [tilespmem:v37+s31+$0x0], $0xffff;
	v18 =	vadd.f32 v19, v18;
	v19 =	vmul.f32 v21, v36  }
0x2bd: {  	v21 =	vld.idx.msk [tilespmem:v37+s1+$0x0], $0xffff  }
0x2be: {  	v40 =	vld.idx.msk [tilespmem:v17+s31+$0x0], $0xffff;
	v18 =	vadd.f32 v19, v18;
	v19 =	vmul.f32 v22, v38  }
0x2bf: {  	v17 =	vld.idx.msk [tilespmem:v17+s1+$0x0], $0xffff  }
0x2c0: {  	v18 =	vadd.f32 v19, v18;
	v19 =	vmul.f32 v20, v23  }
0x2c1: {  	s19 =	simm.s32 $0x10  }
0x2c2: {  	v20 =	vmov s19;
	v18 =	vadd.f32 v19, v18;
	v19 =	vmul.f32 v21, v39  }
0x2c3: {  	v20 =	vshll.u32 v20, $0x4  }
0x2c4: {  	v17 =	vmul.f32 v17, v40;
	v20 =	vor.u32 v1, v20;
	v18 =	vadd.f32 v19, v18  }
0x2c5: {  	v19 =	vor.u32 v0, v20  }
0x2c6: {  	v17 =	vadd.f32 v17, v18  }
0x2c7: {  	s0 =	simm.s32 $0x12400  }
0x2c8: {  	s3 =	simm.s32 $0x12010;
	v18 =	vor.u32 v2, v20;
	[tilespmem:s0+$0x0] =	vst v17  }
0x2c9: {  	v17 =	vld [tilespmem:s3+$0x0]  }
0x2ca: {  	v21 =	vor.u32 v3, v20;
	v22 =	vld.idx.msk [tilespmem:v19+s31+$0x0], $0xffff  }
0x2cb: {  	s6 =	simm.s32 $0x11C10;
	v19 =	vld.idx.msk [tilespmem:v19+s1+$0x0], $0xffff  }
0x2cc: {  	v23 =	vor.u32 v4, v20;
	v41 =	vld [tilespmem:s6+$0x0]  }
0x2cd: {  	v42 =	vld.idx.msk [tilespmem:v18+s31+$0x0], $0xffff  }
0x2ce: {  	v43 =	vor.u32 v5, v20;
	v18 =	vld.idx.msk [tilespmem:v18+s1+$0x0], $0xffff  }
0x2cf: {  	v44 =	vld.idx.msk [tilespmem:v21+s31+$0x0], $0xffff  }
0x2d0: {  	v45 =	vor.u32 v6, v20;
	v21 =	vld.idx.msk [tilespmem:v21+s1+$0x0], $0xffff  }
0x2d1: {  	v46 =	vld.idx.msk [tilespmem:v23+s31+$0x0], $0xffff;
	v17 =	vadd.f32 v17, v41;
	v19 =	vmul.f32 v19, v22  }
0x2d2: {  	v22 =	vld.idx.msk [tilespmem:v23+s1+$0x0], $0xffff;
	v23 =	vor.u32 v8, v20  }
0x2d3: {  	v47 =	vld.idx.msk [tilespmem:v43+s31+$0x0], $0xffff;
	v17 =	vadd.f32 v19, v17;
	v18 =	vmul.f32 v18, v42  }
0x2d4: {  	v48 =	vor.u32 v9, v20;
	v19 =	vld.idx.msk [tilespmem:v43+s1+$0x0], $0xffff  }
0x2d5: {  	v49 =	vld.idx.msk [tilespmem:v45+s31+$0x0], $0xffff;
	v17 =	vadd.f32 v18, v17;
	v18 =	vmul.f32 v21, v44  }
0x2d6: {  	v50 =	vor.u32 v7, v20;
	v21 =	vld.idx.msk [tilespmem:v45+s1+$0x0], $0xffff  }
0x2d7: {  	v51 =	vld.idx.msk [tilespmem:v23+s31+$0x0], $0xffff;
	v17 =	vadd.f32 v18, v17;
	v18 =	vmul.f32 v22, v46  }
0x2d8: {  	v22 =	vld.idx.msk [tilespmem:v23+s1+$0x0], $0xffff;
	v23 =	vor.u32 v10, v20  }
0x2d9: {  	v52 =	vld.idx.msk [tilespmem:v48+s31+$0x0], $0xffff;
	v17 =	vadd.f32 v18, v17;
	v18 =	vmul.f32 v19, v47  }
0x2da: {  	v53 =	vor.u32 v11, v20;
	v19 =	vld.idx.msk [tilespmem:v48+s1+$0x0], $0xffff  }
0x2db: {  	v54 =	vld.idx.msk [tilespmem:v50+s31+$0x0], $0xffff;
	v17 =	vadd.f32 v18, v17;
	v18 =	vmul.f32 v21, v49  }
0x2dc: {  	v55 =	vor.u32 v12, v20;
	v21 =	vld.idx.msk [tilespmem:v50+s1+$0x0], $0xffff  }
0x2dd: {  	v56 =	vld.idx.msk [tilespmem:v23+s31+$0x0], $0xffff;
	v17 =	vadd.f32 v18, v17;
	v18 =	vmul.f32 v22, v51  }
0x2de: {  	v22 =	vld.idx.msk [tilespmem:v23+s1+$0x0], $0xffff;
	v23 =	vor.u32 v13, v20  }
0x2df: {  	v57 =	vld.idx.msk [tilespmem:v53+s31+$0x0], $0xffff;
	v17 =	vadd.f32 v18, v17;
	v18 =	vmul.f32 v19, v52  }
0x2e0: {  	v58 =	vor.u32 v14, v20;
	v19 =	vld.idx.msk [tilespmem:v53+s1+$0x0], $0xffff  }
0x2e1: {  	v59 =	vld.idx.msk [tilespmem:v55+s31+$0x0], $0xffff;
	v17 =	vadd.f32 v18, v17;
	v18 =	vmul.f32 v21, v54  }
0x2e2: {  	v60 =	vor.u32 v15, v20;
	v21 =	vld.idx.msk [tilespmem:v55+s1+$0x0], $0xffff  }
0x2e3: {  	v61 =	vld.idx.msk [tilespmem:v23+s31+$0x0], $0xffff;
	v17 =	vadd.f32 v18, v17;
	v18 =	vmul.f32 v22, v56  }
0x2e4: {  	v20 =	vor.u32 v16, v20;
	v22 =	vld.idx.msk [tilespmem:v23+s1+$0x0], $0xffff  }
0x2e5: {  	v23 =	vld.idx.msk [tilespmem:v58+s31+$0x0], $0xffff;
	v17 =	vadd.f32 v18, v17;
	v18 =	vmul.f32 v19, v57  }
0x2e6: {  	v19 =	vld.idx.msk [tilespmem:v58+s1+$0x0], $0xffff  }
0x2e7: {  	v62 =	vld.idx.msk [tilespmem:v60+s31+$0x0], $0xffff;
	v17 =	vadd.f32 v18, v17;
	v18 =	vmul.f32 v21, v59  }
0x2e8: {  	v21 =	vld.idx.msk [tilespmem:v60+s1+$0x0], $0xffff  }
0x2e9: {  	v63 =	vld.idx.msk [tilespmem:v20+s31+$0x0], $0xffff;
	v17 =	vadd.f32 v18, v17;
	v18 =	vmul.f32 v22, v61  }
0x2ea: {  	v20 =	vld.idx.msk [tilespmem:v20+s1+$0x0], $0xffff  }
0x2eb: {  	s15 =	simm.s32 $0x20;
	v17 =	vadd.f32 v18, v17;
	v18 =	vmul.f32 v19, v23  }
0x2ec: {  	v19 =	vmov s15  }
0x2ed: {  	v19 =	vshll.u32 v19, $0x4;
	v21 =	vmul.f32 v21, v62;
	v22 =	vadd.f32 v18, v17  }
0x2ee: {  	v17 =	vor.u32 v1, v19  }
0x2ef: {  	v20 =	vmul.f32 v20, v63;
	s15 =	simm.s32 $0x30;
	v18 =	vor.u32 v2, v17;
	v19 =	vadd.f32 v21, v22  }
.LBB2_10:
0x2f0: {  	p0 =	sne.s32 s15, $0x3F0  }
0x2f1: {  	v21 =	vor.u32 v0, v17;
	v19 =	vadd.f32 v20, v19  }
0x2f2: {  	s0 =	sadd.s32 $0x10, s0  }
0x2f3: {  	[tilespmem:s0+$0x0] =	vst v19  }
0x2f4: {  	s3 =	sadd.s32 $0x10, s3;
	v19 =	vld.idx.msk [tilespmem:v18+s31+$0x0], $0xffff  }
0x2f5: {  	v22 =	vor.u32 v3, v17;
	v20 =	vld [tilespmem:s3+$0x0]  }
0x2f6: {  	v23 =	vld.idx.msk [tilespmem:v21+s31+$0x0], $0xffff  }
0x2f7: {  	v24 =	vor.u32 v4, v17;
	s6 =	sadd.s32 $0x10, s6;
	v21 =	vld.idx.msk [tilespmem:v21+s1+$0x0], $0xffff  }
0x2f8: {  	v25 =	vld [tilespmem:s6+$0x0]  }
0x2f9: {  	v26 =	vor.u32 v5, v17;
	v18 =	vld.idx.msk [tilespmem:v18+s1+$0x0], $0xffff  }
0x2fa: {  	v27 =	vld.idx.msk [tilespmem:v22+s31+$0x0], $0xffff  }
0x2fb: {  	v28 =	vor.u32 v6, v17;
	v22 =	vld.idx.msk [tilespmem:v22+s1+$0x0], $0xffff  }
0x2fc: {  	v29 =	vld.idx.msk [tilespmem:v24+s31+$0x0], $0xffff  }
0x2fd: {  	v21 =	vmul.f32 v21, v23;
	v20 =	vadd.f32 v20, v25;
	v23 =	vld.idx.msk [tilespmem:v24+s1+$0x0], $0xffff;
	v24 =	vor.u32 v8, v17  }
0x2fe: {  	v25 =	vld.idx.msk [tilespmem:v26+s31+$0x0], $0xffff  }
0x2ff: {  	v18 =	vmul.f32 v18, v19;
	v20 =	vadd.f32 v21, v20;
	v19 =	vld.idx.msk [tilespmem:v26+s1+$0x0], $0xffff;
	v21 =	vor.u32 v9, v17  }
0x300: {  	v26 =	vld.idx.msk [tilespmem:v28+s31+$0x0], $0xffff  }
0x301: {  	v18 =	vadd.f32 v18, v20;
	v20 =	vmul.f32 v22, v27;
	v22 =	vld.idx.msk [tilespmem:v28+s1+$0x0], $0xffff;
	v27 =	vor.u32 v7, v17  }
0x302: {  	v28 =	vld.idx.msk [tilespmem:v24+s31+$0x0], $0xffff  }
0x303: {  	v18 =	vadd.f32 v20, v18;
	v20 =	vmul.f32 v23, v29;
	v23 =	vld.idx.msk [tilespmem:v24+s1+$0x0], $0xffff;
	v24 =	vor.u32 v10, v17  }
0x304: {  	v29 =	vld.idx.msk [tilespmem:v21+s31+$0x0], $0xffff  }
0x305: {  	v19 =	vmul.f32 v19, v25;
	v18 =	vadd.f32 v20, v18;
	v20 =	vld.idx.msk [tilespmem:v21+s1+$0x0], $0xffff;
	v21 =	vor.u32 v11, v17  }
0x306: {  	v25 =	vld.idx.msk [tilespmem:v27+s31+$0x0], $0xffff  }
0x307: {  	v18 =	vadd.f32 v19, v18;
	v19 =	vmul.f32 v22, v26;
	v22 =	vld.idx.msk [tilespmem:v27+s1+$0x0], $0xffff;
	v26 =	vor.u32 v12, v17  }
0x308: {  	v27 =	vld.idx.msk [tilespmem:v24+s31+$0x0], $0xffff  }
0x309: {  	v18 =	vadd.f32 v19, v18;
	v19 =	vmul.f32 v23, v28;
	v23 =	vld.idx.msk [tilespmem:v24+s1+$0x0], $0xffff;
	v24 =	vor.u32 v13, v17  }
0x30a: {  	v28 =	vld.idx.msk [tilespmem:v21+s31+$0x0], $0xffff  }
0x30b: {  	v18 =	vadd.f32 v19, v18;
	v19 =	vmul.f32 v20, v29;
	v20 =	vld.idx.msk [tilespmem:v21+s1+$0x0], $0xffff;
	v21 =	vor.u32 v14, v17  }
0x30c: {  	v29 =	vld.idx.msk [tilespmem:v26+s31+$0x0], $0xffff  }
0x30d: {  	v18 =	vadd.f32 v19, v18;
	v19 =	vmul.f32 v22, v25;
	v22 =	vld.idx.msk [tilespmem:v26+s1+$0x0], $0xffff;
	v25 =	vor.u32 v15, v17  }
0x30e: {  	v26 =	vld.idx.msk [tilespmem:v24+s31+$0x0], $0xffff  }
0x30f: {  	v17 =	vor.u32 v16, v17;
	v18 =	vadd.f32 v19, v18;
	v19 =	vmul.f32 v23, v27;
	v23 =	vld.idx.msk [tilespmem:v24+s1+$0x0], $0xffff  }
0x310: {  	v24 =	vld.idx.msk [tilespmem:v21+s31+$0x0], $0xffff  }
0x311: {  	v18 =	vadd.f32 v19, v18;
	v19 =	vmul.f32 v20, v28;
	v20 =	vld.idx.msk [tilespmem:v21+s1+$0x0], $0xffff  }
0x312: {  	v21 =	vld.idx.msk [tilespmem:v25+s31+$0x0], $0xffff  }
0x313: {  	v18 =	vadd.f32 v19, v18;
	v19 =	vmul.f32 v22, v29;
	v22 =	vld.idx.msk [tilespmem:v25+s1+$0x0], $0xffff  }
0x314: {  	v25 =	vld.idx.msk [tilespmem:v17+s31+$0x0], $0xffff  }
0x315: {  	v18 =	vadd.f32 v19, v18;
	v19 =	vmul.f32 v23, v26;
	v23 =	vld.idx.msk [tilespmem:v17+s1+$0x0], $0xffff;
	_ =	sdelay $0x1  }
.Ltmp4:
0x316: {  	v17 =	vadd.f32 v19, v18;
	v18 =	vmul.f32 v20, v24;
	(pc) =	sbr.rel @p0 .LBB2_10-.Ltmp4, $4  }
0x317: {  	v19 =	vmov s15  }
0x318: {  	v19 =	vshll.u32 v19, $0x4;
	v21 =	vmul.f32 v22, v21;
	v20 =	vadd.f32 v18, v17  }
0x319: {  	v17 =	vor.u32 v1, v19  }
0x31a: {  	s15 =	sadd.s32 $0x10, s15;
	v18 =	vor.u32 v2, v17;
	v19 =	vadd.f32 v21, v20;
	v20 =	vmul.f32 v23, v25  }
0x31b: {  	_ = 	snop  }
0x31c: {  	v21 =	vor.u32 v0, v17;
	v19 =	vadd.f32 v20, v19  }
0x31d: {  	s0 =	sadd.s32 $0x10, s0  }
0x31e: {  	s3 =	sadd.s32 $0x10, s3;
	[tilespmem:s0+$0x0] =	vst v19  }
0x31f: {  	s19 =	sadd.s32 $0x10, s6;
	v19 =	vld [tilespmem:s3+$0x0]  }
0x320: {  	v62 =	vor.u32 v3, v17;
	v24 =	vld [tilespmem:s19+$0x0]  }
0x321: {  	v22 =	vld.idx.msk [tilespmem:v21+s31+$0x0], $0xffff  }
0x322: {  	v23 =	vor.u32 v4, v17;
	v21 =	vld.idx.msk [tilespmem:v21+s1+$0x0], $0xffff  }
0x323: {  	v25 =	vld.idx.msk [tilespmem:v18+s31+$0x0], $0xffff  }
0x324: {  	v26 =	vor.u32 v5, v17;
	v18 =	vld.idx.msk [tilespmem:v18+s1+$0x0], $0xffff  }
0x325: {  	v27 =	vld.idx.msk [tilespmem:v62+s31+$0x0], $0xffff  }
0x326: {  	v28 =	vor.u32 v6, v17;
	v20 =	vld.idx.msk [tilespmem:v62+s1+$0x0], $0xffff  }
0x327: {  	v29 =	vld.idx.msk [tilespmem:v23+s31+$0x0], $0xffff;
	v19 =	vadd.f32 v19, v24;
	v21 =	vmul.f32 v21, v22  }
0x328: {  	v32 =	vor.u32 v8, v17;
	v63 =	vld.idx.msk [tilespmem:v23+s1+$0x0], $0xffff  }
0x329: {  	v33 =	vld.idx.msk [tilespmem:v26+s31+$0x0], $0xffff;
	v18 =	vmul.f32 v18, v25;
	v19 =	vadd.f32 v21, v19  }
0x32a: {  	v35 =	vor.u32 v9, v17;
	v34 =	vld.idx.msk [tilespmem:v26+s1+$0x0], $0xffff  }
0x32b: {  	v36 =	vld.idx.msk [tilespmem:v28+s31+$0x0], $0xffff;
	v18 =	vadd.f32 v18, v19;
	v19 =	vmul.f32 v20, v27  }
0x32c: {  	v38 =	vor.u32 v7, v17;
	v37 =	vld.idx.msk [tilespmem:v28+s1+$0x0], $0xffff  }
0x32d: {  	v39 =	vld.idx.msk [tilespmem:v32+s31+$0x0], $0xffff;
	v18 =	vadd.f32 v19, v18;
	v19 =	vmul.f32 v63, v29  }
0x32e: {  	v41 =	vor.u32 v10, v17;
	v40 =	vld.idx.msk [tilespmem:v32+s1+$0x0], $0xffff  }
0x32f: {  	v42 =	vld.idx.msk [tilespmem:v35+s31+$0x0], $0xffff;
	v18 =	vadd.f32 v19, v18;
	v19 =	vmul.f32 v34, v33  }
0x330: {  	v44 =	vor.u32 v11, v17;
	v43 =	vld.idx.msk [tilespmem:v35+s1+$0x0], $0xffff  }
0x331: {  	v45 =	vld.idx.msk [tilespmem:v38+s31+$0x0], $0xffff;
	v18 =	vadd.f32 v19, v18;
	v19 =	vmul.f32 v37, v36  }
0x332: {  	v47 =	vor.u32 v12, v17;
	v46 =	vld.idx.msk [tilespmem:v38+s1+$0x0], $0xffff  }
0x333: {  	v48 =	vld.idx.msk [tilespmem:v41+s31+$0x0], $0xffff;
	v18 =	vadd.f32 v19, v18;
	v19 =	vmul.f32 v40, v39  }
0x334: {  	v50 =	vor.u32 v13, v17;
	v49 =	vld.idx.msk [tilespmem:v41+s1+$0x0], $0xffff  }
0x335: {  	v51 =	vld.idx.msk [tilespmem:v44+s31+$0x0], $0xffff;
	v18 =	vadd.f32 v19, v18;
	v19 =	vmul.f32 v43, v42  }
0x336: {  	v53 =	vor.u32 v14, v17;
	v52 =	vld.idx.msk [tilespmem:v44+s1+$0x0], $0xffff  }
0x337: {  	v54 =	vld.idx.msk [tilespmem:v47+s31+$0x0], $0xffff;
	v18 =	vadd.f32 v19, v18;
	v19 =	vmul.f32 v46, v45  }
0x338: {  	v56 =	vor.u32 v15, v17;
	v55 =	vld.idx.msk [tilespmem:v47+s1+$0x0], $0xffff  }
0x339: {  	v57 =	vld.idx.msk [tilespmem:v50+s31+$0x0], $0xffff;
	v18 =	vadd.f32 v19, v18;
	v19 =	vmul.f32 v49, v48  }
0x33a: {  	v17 =	vor.u32 v16, v17;
	v58 =	vld.idx.msk [tilespmem:v50+s1+$0x0], $0xffff  }
0x33b: {  	v59 =	vld.idx.msk [tilespmem:v53+s31+$0x0], $0xffff;
	v18 =	vadd.f32 v19, v18;
	v19 =	vmul.f32 v52, v51  }
0x33c: {  	v60 =	vld.idx.msk [tilespmem:v53+s1+$0x0], $0xffff  }
0x33d: {  	v61 =	vld.idx.msk [tilespmem:v56+s31+$0x0], $0xffff;
	v18 =	vadd.f32 v19, v18;
	v19 =	vmul.f32 v55, v54  }
0x33e: {  	v62 =	vld.idx.msk [tilespmem:v56+s1+$0x0], $0xffff  }
0x33f: {  	v63 =	vld.idx.msk [tilespmem:v17+s31+$0x0], $0xffff;
	v18 =	vadd.f32 v19, v18;
	v19 =	vmul.f32 v58, v57  }
0x340: {  	v17 =	vld.idx.msk [tilespmem:v17+s1+$0x0], $0xffff  }
0x341: {  	v18 =	vadd.f32 v19, v18;
	v19 =	vmul.f32 v60, v59;
	_ =	sdelay $0x1  }
0x342: {  	v18 =	vadd.f32 v19, v18;
	v19 =	vmul.f32 v62, v61;
	_ =	sdelay $0x1  }
0x343: {  	v17 =	vmul.f32 v17, v63;
	v18 =	vadd.f32 v19, v18;
	_ =	sdelay $0x1  }
0x344: {  	v17 =	vadd.f32 v17, v18  }
0x345: {  	s0 =	sadd.s32 $0x10, s0  }
0x346: {  	s6 =	simm.s32 $0x12400;
	s3 =	rddreg [dreg:$0xb];
	[tilespmem:s0+$0x0] =	vst v17  }
0x347: {  	[hbm4b:s3+s16] =	stream.linear.scatter [tilespmem:s6], [sflag:$0xB], $0x400, $0x38;
	[tilespmem:$0x12800] =	vst v63  }
0x348: {  	_ =	swait.ge [sflag:s20], $0x400  }
0x349: {  	s15 =	rddreg [dreg:$0xd]  }
0x34a: {  	s19 =	rddreg [dreg:$0xc];
	s3 =	sadd.s32 $0x1, s15  }
0x34b: {  	p0 =	sne.s32 s3, s19  }
.Ltmp5:
0x34c: {  	_ = 	snop;
	(pc) =	sbr.rel @p0 .LBB2_1-.Ltmp5, $3  }
0x34d: {  	_ =	sdelay $0x1  }
0x34e: {  	[sflag:s20] =	ssyncset.done $0x0  }
0x34f: {  	[sflag:s20] =	ssyncadd.s32 $0xFFFFFC00  }
0x350: {  	_ =	sfence.sel $0x180000  }
0x351: {  	[bflag:$0x0] =	sbarrier.arrive $0xFFFF  }
0x352: {  	_ =	strace $0x90000047  }
0x353: {  	s0 =	stileid.u32;
	[bflag:$0x2] =	sbarrier.arrive $0xFFFF  }
0x354: {  	p0 =	sne.s32 s0, $0x0;
	s0 =	rddreg [dreg:$0x2]  }
0x355: {  	s0 =	sadd.s32 @!p0 $0x100000, s0  }
0x356: {  	[sflag:s0] =	ssyncadd.tile.s32 @!p0 $0x1;
	_ =	shalt  }
.Lfunc_end2:
_tile_overlayer_lowered:
.L_overlay_start_2:
0x357: {  	(tag) =	ssettag $0x2  }
0x358: {  	s0 =	rddreg [dreg:$0x0];
	s2 =	stileid.u32  }
0x359: {  	s1 =	rddreg [dreg:$0x1];
	p0 =	sne.s32 s2, $0x0  }
0x35a: {  	s3 =	rddreg [dreg:$0x2];
	[bflag:$0x3] =	sbarrier.arrive $0xFFFF;
	s2 =	simm.s32 @!p0 $0x1C0B  }
0x35b: {  	[timem:s3], [sflag:s2] =	dma.local @!p0 [hbm:s0], s1  }
0x35c: {  	s0 =	simm.s32 @!p0 $0xB  }
0x35d: {  	_ =	swait.ge @!p0 [sflag:s0], s1  }
0x35e: {  	s1 =	ssub.s32 @!p0 $0x0, s1;
	[sflag:s0] =	ssyncset.done @!p0 $0x0  }
0x35f: {  	[sflag:s0] =	ssyncadd.s32 @!p0 s1  }
0x360: {  	[bflag:$0x3] =	sbarrier.arrive $0xFFFF  }
0x361: {  	_ =	shalt  }

</sc_bundles>
